<compile_context>
chip_gen: v7x
topology: tpu7x:2x2x1
jax: 0.10.2.dev20260603
libtpu: 0.0.44.dev20260713+nightly
codegen_flags: <defaults>
</compile_context>

<pallas_src>
import functools

import jax
import jax.numpy as jnp
from jax import lax
from jax.experimental import pallas as pl
from jax.experimental.pallas import tpu as pltpu
from jax.experimental.pallas import tpu_sc as plsc

N = 10000
NP = 10240
E = 320000
NC = 2
NS = 16
NW = NC * NS
EB = 64
NBLK = -(-E // (NW * EB))
EPAD = NW * NBLK * EB
ROWS_T = NP // NS
DEG_Q = 8

_MESH = plsc.VectorSubcoreMesh(core_axis_name="c", subcore_axis_name="s")
_SC_PARAMS = pltpu.CompilerParams(use_tc_tiling_on_sc=False)


@functools.partial(
    pl.kernel,
    out_type=jax.ShapeDtypeStruct((NC, 2, NP), jnp.float32),
    mesh=_MESH,
    scratch_types=[
        pltpu.VMEM((NBLK, EB), jnp.int32),
        pltpu.VMEM((NBLK, EB), jnp.int32),
        pltpu.VMEM((EB,), jnp.float32),
        pltpu.VMEM((ROWS_T,), jnp.float32),
        pltpu.VMEM_SHARED((NP,), jnp.float32),
        pltpu.VMEM_SHARED((NP,), jnp.float32),
        pltpu.SemaphoreType.DMA,
    ],
)
def _deg_kernel(src_hbm, dst_hbm, out_hbm,
                src_v, dst_v, ones_v, zbuf_v, ho_sh, hi_sh, sem):
    c = lax.axis_index("c")
    s = lax.axis_index("s")
    w = c * NS + s
    base = s * ROWS_T

    def zinit(i, carry):
        zbuf_v[pl.ds(i * 16, 16)] = jnp.zeros((16,), jnp.float32)
        return carry

    lax.fori_loop(0, ROWS_T // 16, zinit, 0)

    def oinit(i, carry):
        ones_v[pl.ds(i * 16, 16)] = jnp.ones((16,), jnp.float32)
        return carry

    lax.fori_loop(0, EB // 16, oinit, 0)

    pltpu.sync_copy(zbuf_v, ho_sh.at[pl.ds(base, ROWS_T)])
    pltpu.sync_copy(zbuf_v, hi_sh.at[pl.ds(base, ROWS_T)])
    pltpu.sync_copy(src_hbm.at[w], src_v)
    pltpu.sync_copy(dst_hbm.at[w], dst_v)
    plsc.subcore_barrier()

    def fire(t):
        j = lax.rem(t, NBLK)

        @pl.when(t < NBLK)
        def _():
            pltpu.async_copy(ones_v, ho_sh.at[src_v.at[j]], sem, add=True)

        @pl.when(t >= NBLK)
        def _():
            pltpu.async_copy(ones_v, hi_sh.at[dst_v.at[j]], sem, add=True)

    def drain_one():
        pltpu.make_async_copy(ones_v, ho_sh.at[src_v.at[0]], sem).wait()

    def prol(t, carry):
        fire(t)
        return carry

    lax.fori_loop(0, DEG_Q, prol, 0)

    def steady(t, carry):
        fire(t + DEG_Q)
        drain_one()
        return carry

    lax.fori_loop(0, 2 * NBLK - DEG_Q, steady, 0)

    def epi(t, carry):
        drain_one()
        return carry

    lax.fori_loop(0, DEG_Q, epi, 0)

    plsc.subcore_barrier()
    pltpu.sync_copy(ho_sh.at[pl.ds(base, ROWS_T)],
                    out_hbm.at[c, 0, pl.ds(base, ROWS_T)])
    pltpu.sync_copy(hi_sh.at[pl.ds(base, ROWS_T)],
                    out_hbm.at[c, 1, pl.ds(base, ROWS_T)])


def _make_agg_kernel(D, EBK, NBK, RB):
    @functools.partial(
        pl.kernel,
        out_type=jax.ShapeDtypeStruct((NC, NP, D), jnp.float32),
        mesh=_MESH,
        scratch_types=[
            pltpu.VMEM((NBK, EBK), jnp.int32),
            pltpu.VMEM((NBK, EBK), jnp.int32),
            pltpu.VMEM((RB, EBK, D), jnp.float32),
            pltpu.VMEM_SHARED((NP, D), jnp.float32),
            pltpu.SemaphoreType.DMA((RB,)),
            pltpu.SemaphoreType.DMA((RB,)),
        ],
        compiler_params=_SC_PARAMS,
    )
    def agg(h_hbm, src_hbm, dst_hbm, out_hbm,
            src_v, dst_v, rows_v, agg_sh, gsem, ssem):
        c = lax.axis_index("c")
        s = lax.axis_index("s")
        w = c * NS + s
        base = s * ROWS_T
        nb = NBK

        def zinit(i, carry):
            rows_v[0, lax.div(i, D // 16), pl.ds(lax.rem(i, D // 16) * 16, 16)] = (
                jnp.zeros((16,), jnp.float32))
            return carry

        lax.fori_loop(0, EBK * D // 16, zinit, 0)

        def zcopy(k, carry):
            pltpu.sync_copy(rows_v.at[0],
                            agg_sh.at[pl.ds(base + k * EBK, EBK)])
            return carry

        lax.fori_loop(0, ROWS_T // EBK, zcopy, 0)

        pltpu.sync_copy(src_hbm.at[w], src_v)
        pltpu.sync_copy(dst_hbm.at[w], dst_v)
        plsc.subcore_barrier()

        def gather(j):
            b = lax.rem(j, RB)
            pltpu.async_copy(h_hbm.at[src_v.at[j]], rows_v.at[b], gsem.at[b])

        def wait_gather(j):
            b = lax.rem(j, RB)
            pltpu.make_async_copy(h_hbm.at[src_v.at[j]], rows_v.at[b],
                                  gsem.at[b]).wait()

        def scatter(j):
            b = lax.rem(j, RB)
            pltpu.async_copy(rows_v.at[b], agg_sh.at[dst_v.at[j]],
                             ssem.at[b], add=True)

        def wait_scatter(j):
            b = lax.rem(j, RB)
            pltpu.make_async_copy(rows_v.at[b], agg_sh.at[dst_v.at[j]],
                                  ssem.at[b]).wait()

        def prol(j, carry):
            gather(j)
            return carry

        lax.fori_loop(0, RB, prol, 0)

        def steady(j, carry):
            wait_gather(j)
            scatter(j)

            @pl.when(j >= 1)
            def _():
                wait_scatter(j - 1)

                @pl.when(j - 1 + RB < nb)
                def _():
                    gather(j - 1 + RB)

            return carry

        lax.fori_loop(0, nb, steady, 0)
        wait_scatter(nb - 1)

        plsc.subcore_barrier()
        pltpu.sync_copy(agg_sh.at[pl.ds(base, ROWS_T)],
                        out_hbm.at[c, pl.ds(base, ROWS_T)])

    return agg


_agg128 = _make_agg_kernel(128, EB, NBLK, 3)
_agg64 = _make_agg_kernel(64, EB, NBLK, 3)


def _norm(da, db):
    deg = da + db
    return jnp.where(deg > 0, lax.rsqrt(jnp.maximum(deg, 1.0)), 0.0)


def _mm1_body(x_ref, w_ref, doa_ref, dob_ref, o_ref):
    ns = _norm(doa_ref[...], dob_ref[...])
    o_ref[...] = jnp.dot(x_ref[...], w_ref[...],
                         preferred_element_type=jnp.float32) * ns


def _l2_body(p_ref, dia_ref, dib_ref, doa_ref, dob_ref,
             b1_ref, w2_ref, o_ref):
    nd = _norm(dia_ref[...], dib_ref[...])
    x = (p_ref[0] + p_ref[1]) * nd + b1_ref[...]
    x = jnp.maximum(x, 0.0)
    ns = _norm(doa_ref[...], dob_ref[...])
    o_ref[...] = jnp.dot(x, w2_ref[...],
                         preferred_element_type=jnp.float32) * ns


def _fin_body(p_ref, dia_ref, dib_ref, b2_ref, o_ref):
    nd = _norm(dia_ref[...], dib_ref[...])
    y = (p_ref[0] + p_ref[1]) * nd + b2_ref[...]
    m = jnp.max(y, axis=1, keepdims=True)
    e = jnp.exp(y - m)
    o_ref[...] = (y - m) - jnp.log(jnp.sum(e, axis=1, keepdims=True))


_RBK = 2560
_FBK = 2000


def _vec_spec(rb):
    return pl.BlockSpec((rb, 1), lambda i: (i, 0))


def _pair_spec(rb, d):
    return pl.BlockSpec((2, rb, d), lambda i: (0, i, 0))


def _full_spec(shape):
    return pl.BlockSpec(shape, lambda i: tuple(0 for _ in shape))


def _tc_mm1(x, w1, doa, dob):
    return pl.pallas_call(
        _mm1_body,
        grid=(NP // _RBK,),
        in_specs=[
            pl.BlockSpec((_RBK, 128), lambda i: (i, 0)),
            _full_spec((128, 128)),
            _vec_spec(_RBK), _vec_spec(_RBK),
        ],
        out_specs=pl.BlockSpec((_RBK, 128), lambda i: (i, 0)),
        out_shape=jax.ShapeDtypeStruct((NP, 128), jnp.float32),
    )(x, w1, doa, dob)


def _tc_l2(p, dia, dib, doa, dob, b1, w2):
    return pl.pallas_call(
        _l2_body,
        grid=(NP // _RBK,),
        in_specs=[
            _pair_spec(_RBK, 128),
            _vec_spec(_RBK), _vec_spec(_RBK), _vec_spec(_RBK), _vec_spec(_RBK),
            _full_spec((1, 128)),
            _full_spec((128, 64)),
        ],
        out_specs=pl.BlockSpec((_RBK, 64), lambda i: (i, 0)),
        out_shape=jax.ShapeDtypeStruct((NP, 64), jnp.float32),
    )(p, dia, dib, doa, dob, b1, w2)


def _tc_fin(p, dia, dib, b2):
    return pl.pallas_call(
        _fin_body,
        grid=(N // _FBK,),
        in_specs=[
            _pair_spec(_FBK, 64),
            _vec_spec(_FBK), _vec_spec(_FBK),
            _full_spec((1, 64)),
        ],
        out_specs=pl.BlockSpec((_FBK, 64), lambda i: (i, 0)),
        out_shape=jax.ShapeDtypeStruct((N, 64), jnp.float32),
    )(p, dia, dib, b2)


def kernel(features, edge_index, W1, b1, W2, b2):
    src = edge_index[0].astype(jnp.int32)
    dst = edge_index[1].astype(jnp.int32)
    pad = EPAD - E
    src_b = jnp.concatenate(
        [src, jnp.full((pad,), N, jnp.int32)]).reshape(NW, NBLK, EB)
    dst_b = jnp.concatenate(
        [dst, jnp.full((pad,), N, jnp.int32)]).reshape(NW, NBLK, EB)

    degp = _deg_kernel(src_b, dst_b)
    doa = degp[0, 0][:, None]
    dob = degp[1, 0][:, None]
    dia = degp[0, 1][:, None]
    dib = degp[1, 1][:, None]

    xpad = jnp.zeros((NP, 128), jnp.float32).at[:N].set(features)
    h1 = _tc_mm1(xpad, W1, doa, dob)
    p1 = _agg128(h1, src_b, dst_b)
    h2 = _tc_l2(p1, dia, dib, doa, dob,
                b1.reshape(1, 128), W2)
    p2 = _agg64(h2, src_b, dst_b)
    return _tc_fin(p2, dia, dib, b2.reshape(1, 64))

# --- scband reference (transcript-rebuilt; emitter-appended) ---
"""Pipeline reference for scband-model-55697135894940 (READ-ONLY COPY).

The authoritative reference and input builder live on the scoring server;
editing this copy changes nothing except your own understanding.
"""

import jax, jax.numpy as jnp
import numpy as np

N_NODES = 10000
N_EDGES = 320000
D_FEAT = 128
D_INTER = 128
D_FINAL = 64


def setup_inputs(seed: int = 0) -> dict:
    key = jax.random.key(seed)
    k1, k2, k3, k4, k5, k6 = jax.random.split(key, 6)
    features = jax.random.normal(k1, (N_NODES, D_FEAT), dtype=jnp.float32)
    edge_index = jax.random.randint(k2, (2, N_EDGES), 0, N_NODES, dtype=jnp.int64)
    # Glorot-style init for the two GraphConv weights, zeros for biases (DGL default)
    s1 = float(np.sqrt(6.0 / (D_FEAT + D_INTER)))
    s2 = float(np.sqrt(6.0 / (D_INTER + D_FINAL)))
    W1 = jax.random.uniform(k3, (D_FEAT, D_INTER), minval=-s1, maxval=s1, dtype=jnp.float32)
    b1 = jnp.zeros((D_INTER,), dtype=jnp.float32)
    W2 = jax.random.uniform(k4, (D_INTER, D_FINAL), minval=-s2, maxval=s2, dtype=jnp.float32)
    b2 = jnp.zeros((D_FINAL,), dtype=jnp.float32)
    return {"features": features, "edge_index": edge_index, "W1": W1, "b1": b1, "W2": W2, "b2": b2}


def _graph_conv(x, src, dst, n, W, b):
    # DGL GraphConv with norm='both':
    #   h = D_dst^{-1/2} A D_src^{-1/2} (x W) + b
    deg_out = jnp.zeros((n,), dtype=x.dtype).at[src].add(1.0)
    deg_in = jnp.zeros((n,), dtype=x.dtype).at[dst].add(1.0)
    norm_src = jnp.where(deg_out > 0, jax.lax.rsqrt(jnp.maximum(deg_out, 1.0)), 0.0)
    norm_dst = jnp.where(deg_in > 0, jax.lax.rsqrt(jnp.maximum(deg_in, 1.0)), 0.0)
    h = x @ W
    h = h * norm_src[:, None]
    msgs = jnp.take(h, src, axis=0)
    agg = jnp.zeros_like(h).at[dst].add(msgs)
    agg = agg * norm_dst[:, None]
    return agg + b


def reference(features, edge_index, W1, b1, W2, b2):
    src = edge_index[0]
    dst = edge_index[1]
    n = features.shape[0]
    x = _graph_conv(features, src, dst, n, W1, b1)
    x = jax.nn.relu(x)
    x = _graph_conv(x, src, dst, n, W2, b2)
    return jax.nn.log_softmax(x, axis=1)

if __name__ == "__main__":
    import jax
    _d = setup_inputs()
    print(jax.jit(kernel)(*tuple(_d.values())))

</pallas_src>

<mosaic_0001>
#map = affine_map<(d0, d1) -> (0, 0)>
#map1 = affine_map<(d0, d1) -> (0, 0, 0)>
module attributes {stable_mosaic.version = 14 : i64} {
  func.func @agg(%arg0: i32, %arg1: i32, %arg2: memref<10240x64xf32, #tpu.memory_space<hbm>>, %arg3: memref<32x157x64xi32, #tpu.memory_space<hbm>>, %arg4: memref<32x157x64xi32, #tpu.memory_space<hbm>>, %arg5: memref<2x10240x64xf32, #tpu.memory_space<hbm>>, %arg6: memref<157x64xi32, #tpu.memory_space<vmem>>, %arg7: memref<157x64xi32, #tpu.memory_space<vmem>>, %arg8: memref<3x64x64xf32, #tpu.memory_space<vmem>>, %arg9: memref<10240x64xf32, #tpu.memory_space<vmem_shared>>, %arg10: memref<3x!tpu.dma_semaphore, #tpu.memory_space<semaphore_mem>>, %arg11: memref<3x!tpu.dma_semaphore, #tpu.memory_space<semaphore_mem>>) attributes {dimension_semantics = [#tpu.dimension_semantics<core_parallel>, #tpu.dimension_semantics<subcore_parallel>], iteration_bounds = array<i64: 2, 16>, scalar_prefetch = 0 : i64, scratch_operands = 6 : i64, tpu.core_type = #tpu.core_type<sc_vector_subcore>, window_params = [{transform_indices = #map}, {transform_indices = #map1}, {transform_indices = #map1}, {transform_indices = #map1}]} {
    %mul3A = arith.constant 16 : i32
    %mul3A_0 = arith.muli %arg0, %mul3A : i32
    %add3A = arith.addi %mul3A_0, %arg1 : i32
    %mul3A_1 = arith.constant 640 : i32
    %mul3A_2 = arith.muli %arg1, %mul3A_1 : i32
    %scan3A = arith.constant 0 : i32
    %scan3A_3 = arith.constant 0 : i32
    %scan3A_4 = arith.constant 256 : i32
    %scan3A_5 = arith.addi %scan3A_3, %scan3A_4 : i32
    %scan3A_6 = arith.constant 1 : i32
    scf.for %scan3A_41 = %scan3A_3 to %scan3A_5 step %scan3A_6  : i32 {
      %broadcast_in_dim3A = arith.constant 0.000000e+00 : f32
      %broadcast_in_dim3A_42 = vector.broadcast %broadcast_in_dim3A : f32 to vector<16xf32>
      %div3A = arith.constant 4 : i32
      %div3A_43 = arith.divsi %scan3A_41, %div3A : i32
      %rem3A_44 = arith.constant 4 : i32
      %rem3A_45 = arith.remsi %scan3A_41, %rem3A_44 : i32
      %mul3A_46 = arith.constant 16 : i32
      %mul3A_47 = arith.muli %rem3A_45, %mul3A_46 : i32
      %swap3A = arith.constant 0 : i32
      %swap3A_48 = arith.index_cast %swap3A : i32 to index
      %swap3A_49 = arith.index_cast %div3A_43 : i32 to index
      %swap3A_50 = arith.index_cast %mul3A_47 : i32 to index
      %swap3A_51 = tpu.vector_load %arg8[%swap3A_48, %swap3A_49, %swap3A_50] {strides = array<i32>} : memref<3x64x64xf32, #tpu.memory_space<vmem>>, vector<1x1x16xf32>,
      %swap3A_52 = vector.shape_cast %swap3A_51 : vector<1x1x16xf32> to vector<16xf32>
      %swap3A_53 = vector.shape_cast %broadcast_in_dim3A_42 : vector<16xf32> to vector<1x1x16xf32>
      tpu.vector_store %arg8[%swap3A_48, %swap3A_49, %swap3A_50], %swap3A_53 {strides = array<i32>} : memref<3x64x64xf32, #tpu.memory_space<vmem>>, vector<1x1x16xf32>,
    }
    %scan3A_7 = arith.constant 256 : i32
    %scan3A_8 = arith.constant 0 : i32
    %scan3A_9 = arith.constant 0 : i32
    %scan3A_10 = arith.constant 10 : i32
    %scan3A_11 = arith.addi %scan3A_9, %scan3A_10 : i32
    %scan3A_12 = arith.constant 1 : i32
    scf.for %scan3A_41 = %scan3A_9 to %scan3A_11 step %scan3A_12  : i32 {
      %mul3A_42 = arith.constant 64 : i32
      %mul3A_43 = arith.muli %scan3A_41, %mul3A_42 : i32
      %add3A_44 = arith.addi %mul3A_2, %mul3A_43 : i32
      %run_scoped3A = arith.constant 0 : i32
      "tpu.region"() ({
        %run_scoped3A_45 = tpu.sem_alloc : memref<!tpu.dma_semaphore, #tpu.memory_space<semaphore_mem>>
        %dma_start3A = arith.constant 0 : i32
        %dma_start3A_46 = arith.constant 0 : i32
        %dma_start3A_47 = tpu.memref_slice %arg8[%run_scoped3A, %dma_start3A, %dma_start3A_46] : memref<3x64x64xf32, #tpu.memory_space<vmem>> -> memref<1x64x64xf32, #tpu.memory_space<vmem>>
        %dma_start3A_48 = tpu.memref_squeeze %dma_start3A_47 : memref<1x64x64xf32, #tpu.memory_space<vmem>> -> memref<64x64xf32, #tpu.memory_space<vmem>>
        %dma_start3A_49 = arith.constant 0 : i32
        %dma_start3A_50 = tpu.memref_slice %arg9[%add3A_44, %dma_start3A_49] : memref<10240x64xf32, #tpu.memory_space<vmem_shared>> -> memref<64x64xf32, #tpu.memory_space<vmem_shared>>
        %dma_start3A_51 = arith.constant 0 : i32
        %dma_start3A_52 = tpu.memref_slice %arg9[%add3A_44, %dma_start3A_51] : memref<10240x64xf32, #tpu.memory_space<vmem_shared>> -> memref<64x64xf32, #tpu.memory_space<vmem_shared>>
        %dma_start3A_53 = arith.constant 0 : i32
        %dma_start3A_54 = arith.constant 0 : i32
        %dma_start3A_55 = tpu.memref_slice %arg8[%run_scoped3A, %dma_start3A_53, %dma_start3A_54] : memref<3x64x64xf32, #tpu.memory_space<vmem>> -> memref<1x64x64xf32, #tpu.memory_space<vmem>>
        %dma_start3A_56 = tpu.memref_squeeze %dma_start3A_55 : memref<1x64x64xf32, #tpu.memory_space<vmem>> -> memref<64x64xf32, #tpu.memory_space<vmem>>
        tpu.enqueue_dma source(%dma_start3A_56 : memref<64x64xf32, #tpu.memory_space<vmem>>) target(%dma_start3A_52 : memref<64x64xf32, #tpu.memory_space<vmem_shared>>) target_semaphore(%run_scoped3A_45 : memref<!tpu.dma_semaphore, #tpu.memory_space<semaphore_mem>>)
        %dma_wait3A_57 = arith.constant 0 : i32
        %dma_wait3A_58 = arith.constant 0 : i32
        %dma_wait3A_59 = tpu.memref_slice %arg8[%run_scoped3A, %dma_wait3A_57, %dma_wait3A_58] : memref<3x64x64xf32, #tpu.memory_space<vmem>> -> memref<1x64x64xf32, #tpu.memory_space<vmem>>
        %dma_wait3A_60 = tpu.memref_squeeze %dma_wait3A_59 : memref<1x64x64xf32, #tpu.memory_space<vmem>> -> memref<64x64xf32, #tpu.memory_space<vmem>>
        %dma_wait3A_61 = arith.constant 0 : i32
        %dma_wait3A_62 = tpu.memref_slice %arg9[%add3A_44, %dma_wait3A_61] : memref<10240x64xf32, #tpu.memory_space<vmem_shared>> -> memref<64x64xf32, #tpu.memory_space<vmem_shared>>
        %dma_wait3A_63 = arith.constant 0 : i32
        %dma_wait3A_64 = tpu.memref_slice %arg9[%add3A_44, %dma_wait3A_63] : memref<10240x64xf32, #tpu.memory_space<vmem_shared>> -> memref<64x64xf32, #tpu.memory_space<vmem_shared>>
        %dma_wait3A_65 = arith.constant 0 : i32
        %dma_wait3A_66 = arith.constant 0 : i32
        %dma_wait3A_67 = tpu.memref_slice %arg8[%run_scoped3A, %dma_wait3A_65, %dma_wait3A_66] : memref<3x64x64xf32, #tpu.memory_space<vmem>> -> memref<1x64x64xf32, #tpu.memory_space<vmem>>
        %dma_wait3A_68 = tpu.memref_squeeze %dma_wait3A_67 : memref<1x64x64xf32, #tpu.memory_space<vmem>> -> memref<64x64xf32, #tpu.memory_space<vmem>>
        tpu.wait_dma2 semaphore(%run_scoped3A_45 : memref<!tpu.dma_semaphore, #tpu.memory_space<semaphore_mem>>) src(%dma_wait3A_68 : memref<64x64xf32, #tpu.memory_space<vmem>>) dst(%dma_wait3A_64 : memref<64x64xf32, #tpu.memory_space<vmem_shared>>)
        tpu.yield
      }) : () -> ()
    }
    %scan3A_13 = arith.constant 10 : i32
    "tpu.region"() ({
      %run_scoped3A = tpu.sem_alloc : memref<!tpu.dma_semaphore, #tpu.memory_space<semaphore_mem>>
      %dma_start3A = arith.constant 0 : i32
      %dma_start3A_41 = arith.constant 0 : i32
      %dma_start3A_42 = tpu.memref_slice %arg3[%add3A, %dma_start3A, %dma_start3A_41] : memref<32x157x64xi32, #tpu.memory_space<hbm>> -> memref<1x157x64xi32, #tpu.memory_space<hbm>>
      %dma_start3A_43 = tpu.memref_squeeze %dma_start3A_42 : memref<1x157x64xi32, #tpu.memory_space<hbm>> -> memref<157x64xi32, #tpu.memory_space<hbm>>
      %dma_start3A_44 = arith.constant 0 : i32
      %dma_start3A_45 = arith.constant 0 : i32
      %dma_start3A_46 = tpu.memref_slice %arg3[%add3A, %dma_start3A_44, %dma_start3A_45] : memref<32x157x64xi32, #tpu.memory_space<hbm>> -> memref<1x157x64xi32, #tpu.memory_space<hbm>>
      %dma_start3A_47 = tpu.memref_squeeze %dma_start3A_46 : memref<1x157x64xi32, #tpu.memory_space<hbm>> -> memref<157x64xi32, #tpu.memory_space<hbm>>
      tpu.enqueue_dma source(%dma_start3A_47 : memref<157x64xi32, #tpu.memory_space<hbm>>) target(%arg6 : memref<157x64xi32, #tpu.memory_space<vmem>>) target_semaphore(%run_scoped3A : memref<!tpu.dma_semaphore, #tpu.memory_space<semaphore_mem>>)
      %dma_wait3A_48 = arith.constant 0 : i32
      %dma_wait3A_49 = arith.constant 0 : i32
      %dma_wait3A_50 = tpu.memref_slice %arg3[%add3A, %dma_wait3A_48, %dma_wait3A_49] : memref<32x157x64xi32, #tpu.memory_space<hbm>> -> memref<1x157x64xi32, #tpu.memory_space<hbm>>
      %dma_wait3A_51 = tpu.memref_squeeze %dma_wait3A_50 : memref<1x157x64xi32, #tpu.memory_space<hbm>> -> memref<157x64xi32, #tpu.memory_space<hbm>>
      %dma_wait3A_52 = arith.constant 0 : i32
      %dma_wait3A_53 = arith.constant 0 : i32
      %dma_wait3A_54 = tpu.memref_slice %arg3[%add3A, %dma_wait3A_52, %dma_wait3A_53] : memref<32x157x64xi32, #tpu.memory_space<hbm>> -> memref<1x157x64xi32, #tpu.memory_space<hbm>>
      %dma_wait3A_55 = tpu.memref_squeeze %dma_wait3A_54 : memref<1x157x64xi32, #tpu.memory_space<hbm>> -> memref<157x64xi32, #tpu.memory_space<hbm>>
      tpu.wait_dma2 semaphore(%run_scoped3A : memref<!tpu.dma_semaphore, #tpu.memory_space<semaphore_mem>>) src(%dma_wait3A_55 : memref<157x64xi32, #tpu.memory_space<hbm>>) dst(%arg6 : memref<157x64xi32, #tpu.memory_space<vmem>>)
      tpu.yield
    }) : () -> ()
    "tpu.region"() ({
      %run_scoped3A = tpu.sem_alloc : memref<!tpu.dma_semaphore, #tpu.memory_space<semaphore_mem>>
      %dma_start3A = arith.constant 0 : i32
      %dma_start3A_41 = arith.constant 0 : i32
      %dma_start3A_42 = tpu.memref_slice %arg4[%add3A, %dma_start3A, %dma_start3A_41] : memref<32x157x64xi32, #tpu.memory_space<hbm>> -> memref<1x157x64xi32, #tpu.memory_space<hbm>>
      %dma_start3A_43 = tpu.memref_squeeze %dma_start3A_42 : memref<1x157x64xi32, #tpu.memory_space<hbm>> -> memref<157x64xi32, #tpu.memory_space<hbm>>
      %dma_start3A_44 = arith.constant 0 : i32
      %dma_start3A_45 = arith.constant 0 : i32
      %dma_start3A_46 = tpu.memref_slice %arg4[%add3A, %dma_start3A_44, %dma_start3A_45] : memref<32x157x64xi32, #tpu.memory_space<hbm>> -> memref<1x157x64xi32, #tpu.memory_space<hbm>>
      %dma_start3A_47 = tpu.memref_squeeze %dma_start3A_46 : memref<1x157x64xi32, #tpu.memory_space<hbm>> -> memref<157x64xi32, #tpu.memory_space<hbm>>
      tpu.enqueue_dma source(%dma_start3A_47 : memref<157x64xi32, #tpu.memory_space<hbm>>) target(%arg7 : memref<157x64xi32, #tpu.memory_space<vmem>>) target_semaphore(%run_scoped3A : memref<!tpu.dma_semaphore, #tpu.memory_space<semaphore_mem>>)
      %dma_wait3A_48 = arith.constant 0 : i32
      %dma_wait3A_49 = arith.constant 0 : i32
      %dma_wait3A_50 = tpu.memref_slice %arg4[%add3A, %dma_wait3A_48, %dma_wait3A_49] : memref<32x157x64xi32, #tpu.memory_space<hbm>> -> memref<1x157x64xi32, #tpu.memory_space<hbm>>
      %dma_wait3A_51 = tpu.memref_squeeze %dma_wait3A_50 : memref<1x157x64xi32, #tpu.memory_space<hbm>> -> memref<157x64xi32, #tpu.memory_space<hbm>>
      %dma_wait3A_52 = arith.constant 0 : i32
      %dma_wait3A_53 = arith.constant 0 : i32
      %dma_wait3A_54 = tpu.memref_slice %arg4[%add3A, %dma_wait3A_52, %dma_wait3A_53] : memref<32x157x64xi32, #tpu.memory_space<hbm>> -> memref<1x157x64xi32, #tpu.memory_space<hbm>>
      %dma_wait3A_55 = tpu.memref_squeeze %dma_wait3A_54 : memref<1x157x64xi32, #tpu.memory_space<hbm>> -> memref<157x64xi32, #tpu.memory_space<hbm>>
      tpu.wait_dma2 semaphore(%run_scoped3A : memref<!tpu.dma_semaphore, #tpu.memory_space<semaphore_mem>>) src(%dma_wait3A_55 : memref<157x64xi32, #tpu.memory_space<hbm>>) dst(%arg7 : memref<157x64xi32, #tpu.memory_space<vmem>>)
      tpu.yield
    }) : () -> ()
    %barrier3A = arith.constant 0 : index
    tpu.barrier barrier_id(%barrier3A)
    %scan3A_14 = arith.constant 0 : i32
    %scan3A_15 = arith.constant 0 : i32
    %scan3A_16 = arith.constant 3 : i32
    %scan3A_17 = arith.addi %scan3A_15, %scan3A_16 : i32
    %scan3A_18 = arith.constant 1 : i32
    scf.for %scan3A_41 = %scan3A_15 to %scan3A_17 step %scan3A_18  : i32 {
      %rem3A_42 = arith.constant 3 : i32
      %rem3A_43 = arith.remsi %scan3A_41, %rem3A_42 : i32
      %dma_start3A = arith.constant 0 : i32
      %dma_start3A_44 = arith.constant 0 : i32
      %dma_start3A_45 = tpu.memref_slice %arg8[%rem3A_43, %dma_start3A, %dma_start3A_44] : memref<3x64x64xf32, #tpu.memory_space<vmem>> -> memref<1x64x64xf32, #tpu.memory_space<vmem>>
      %dma_start3A_46 = tpu.memref_squeeze %dma_start3A_45 : memref<1x64x64xf32, #tpu.memory_space<vmem>> -> memref<64x64xf32, #tpu.memory_space<vmem>>
      %dma_start3A_47 = arith.constant 0 : i32
      %dma_start3A_48 = tpu.memref_slice %arg6[%scan3A_41, %dma_start3A_47] : memref<157x64xi32, #tpu.memory_space<vmem>> -> memref<1x64xi32, #tpu.memory_space<vmem>>
      %dma_start3A_49 = tpu.memref_squeeze %dma_start3A_48 : memref<1x64xi32, #tpu.memory_space<vmem>> -> memref<64xi32, #tpu.memory_space<vmem>>
      %dma_start3A_50 = arith.constant 0 : i32
      %dma_start3A_51 = arith.constant 0 : i32
      %dma_start3A_52 = tpu.memref_slice %arg2[%dma_start3A_50, %dma_start3A_51] : memref<10240x64xf32, #tpu.memory_space<hbm>> -> memref<10240x64xf32, #tpu.memory_space<hbm>>
      %dma_start3A_53 = tpu.memref_slice %arg10[%rem3A_43] : memref<3x!tpu.dma_semaphore, #tpu.memory_space<semaphore_mem>> -> memref<1x!tpu.dma_semaphore, #tpu.memory_space<semaphore_mem>>
      %dma_start3A_54 = tpu.memref_squeeze %dma_start3A_53 : memref<1x!tpu.dma_semaphore, #tpu.memory_space<semaphore_mem>> -> memref<!tpu.dma_semaphore, #tpu.memory_space<semaphore_mem>>
      tpu.enqueue_indirect_dma source(%dma_start3A_52 : memref<10240x64xf32, #tpu.memory_space<hbm>>) target(%dma_start3A_46 : memref<64x64xf32, #tpu.memory_space<vmem>>) offsets(%dma_start3A_49 : memref<64xi32, #tpu.memory_space<vmem>>) semaphore(%dma_start3A_54 : memref<!tpu.dma_semaphore, #tpu.memory_space<semaphore_mem>>)
    }
    %scan3A_19 = arith.constant 3 : i32
    %scan3A_20 = arith.constant 0 : i32
    %scan3A_21 = arith.constant 0 : i32
    %scan3A_22 = arith.constant 157 : i32
    %scan3A_23 = arith.addi %scan3A_21, %scan3A_22 : i32
    %scan3A_24 = arith.constant 1 : i32
    scf.for %scan3A_41 = %scan3A_21 to %scan3A_23 step %scan3A_24  : i32 {
      %rem3A_42 = arith.constant 3 : i32
      %rem3A_43 = arith.remsi %scan3A_41, %rem3A_42 : i32
      %dma_wait3A_44 = arith.constant 0 : i32
      %dma_wait3A_45 = arith.constant 0 : i32
      %dma_wait3A_46 = tpu.memref_slice %arg8[%rem3A_43, %dma_wait3A_44, %dma_wait3A_45] : memref<3x64x64xf32, #tpu.memory_space<vmem>> -> memref<1x64x64xf32, #tpu.memory_space<vmem>>
      %dma_wait3A_47 = tpu.memref_squeeze %dma_wait3A_46 : memref<1x64x64xf32, #tpu.memory_space<vmem>> -> memref<64x64xf32, #tpu.memory_space<vmem>>
      %dma_wait3A_48 = arith.constant 0 : i32
      %dma_wait3A_49 = tpu.memref_slice %arg6[%scan3A_41, %dma_wait3A_48] : memref<157x64xi32, #tpu.memory_space<vmem>> -> memref<1x64xi32, #tpu.memory_space<vmem>>
      %dma_wait3A_50 = tpu.memref_squeeze %dma_wait3A_49 : memref<1x64xi32, #tpu.memory_space<vmem>> -> memref<64xi32, #tpu.memory_space<vmem>>
      %dma_wait3A_51 = arith.constant 0 : i32
      %dma_wait3A_52 = arith.constant 0 : i32
      %dma_wait3A_53 = tpu.memref_slice %arg2[%dma_wait3A_51, %dma_wait3A_52] : memref<10240x64xf32, #tpu.memory_space<hbm>> -> memref<10240x64xf32, #tpu.memory_space<hbm>>
      %dma_wait3A_54 = tpu.memref_slice %arg10[%rem3A_43] : memref<3x!tpu.dma_semaphore, #tpu.memory_space<semaphore_mem>> -> memref<1x!tpu.dma_semaphore, #tpu.memory_space<semaphore_mem>>
      %dma_wait3A_55 = tpu.memref_squeeze %dma_wait3A_54 : memref<1x!tpu.dma_semaphore, #tpu.memory_space<semaphore_mem>> -> memref<!tpu.dma_semaphore, #tpu.memory_space<semaphore_mem>>
      tpu.wait_indirect_dma semaphore(%dma_wait3A_55 : memref<!tpu.dma_semaphore, #tpu.memory_space<semaphore_mem>>) src(%dma_wait3A_53 : memref<10240x64xf32, #tpu.memory_space<hbm>>) dst(%dma_wait3A_47 : memref<64x64xf32, #tpu.memory_space<vmem>>)
      %rem3A_56 = arith.constant 3 : i32
      %rem3A_57 = arith.remsi %scan3A_41, %rem3A_56 : i32
      %dma_start3A = arith.constant 0 : i32
      %dma_start3A_58 = arith.constant 0 : i32
      %dma_start3A_59 = tpu.memref_slice %arg8[%rem3A_57, %dma_start3A, %dma_start3A_58] : memref<3x64x64xf32, #tpu.memory_space<vmem>> -> memref<1x64x64xf32, #tpu.memory_space<vmem>>
      %dma_start3A_60 = tpu.memref_squeeze %dma_start3A_59 : memref<1x64x64xf32, #tpu.memory_space<vmem>> -> memref<64x64xf32, #tpu.memory_space<vmem>>
      %dma_start3A_61 = arith.constant 0 : i32
      %dma_start3A_62 = tpu.memref_slice %arg7[%scan3A_41, %dma_start3A_61] : memref<157x64xi32, #tpu.memory_space<vmem>> -> memref<1x64xi32, #tpu.memory_space<vmem>>
      %dma_start3A_63 = tpu.memref_squeeze %dma_start3A_62 : memref<1x64xi32, #tpu.memory_space<vmem>> -> memref<64xi32, #tpu.memory_space<vmem>>
      %dma_start3A_64 = arith.constant 0 : i32
      %dma_start3A_65 = arith.constant 0 : i32
      %dma_start3A_66 = tpu.memref_slice %arg9[%dma_start3A_64, %dma_start3A_65] : memref<10240x64xf32, #tpu.memory_space<vmem_shared>> -> memref<10240x64xf32, #tpu.memory_space<vmem_shared>>
      %dma_start3A_67 = tpu.memref_slice %arg11[%rem3A_57] : memref<3x!tpu.dma_semaphore, #tpu.memory_space<semaphore_mem>> -> memref<1x!tpu.dma_semaphore, #tpu.memory_space<semaphore_mem>>
      %dma_start3A_68 = tpu.memref_squeeze %dma_start3A_67 : memref<1x!tpu.dma_semaphore, #tpu.memory_space<semaphore_mem>> -> memref<!tpu.dma_semaphore, #tpu.memory_space<semaphore_mem>>
      tpu.enqueue_indirect_dma source(%dma_start3A_60 : memref<64x64xf32, #tpu.memory_space<vmem>>) target(%dma_start3A_66 : memref<10240x64xf32, #tpu.memory_space<vmem_shared>>) offsets(%dma_start3A_63 : memref<64xi32, #tpu.memory_space<vmem>>) semaphore(%dma_start3A_68 : memref<!tpu.dma_semaphore, #tpu.memory_space<semaphore_mem>>) {add = true}
      %ge3A = arith.constant 1 : i32
      %ge3A_69 = arith.cmpi sge, %scan3A_41, %ge3A : i32
      %convert_element_type3A = arith.extui %ge3A_69 : i1 to i32
      %cond3A = arith.constant 0 : i32
      %cond3A_70 = arith.cmpi ne, %convert_element_type3A, %cond3A : i32
      scf.if %cond3A_70 {
        %sub3A = arith.constant 1 : i32
        %sub3A_71 = arith.subi %scan3A_41, %sub3A : i32
        %rem3A_72 = arith.constant 3 : i32
        %rem3A_73 = arith.remsi %sub3A_71, %rem3A_72 : i32
        %dma_wait3A_74 = arith.constant 0 : i32
        %dma_wait3A_75 = arith.constant 0 : i32
        %dma_wait3A_76 = tpu.memref_slice %arg8[%rem3A_73, %dma_wait3A_74, %dma_wait3A_75] : memref<3x64x64xf32, #tpu.memory_space<vmem>> -> memref<1x64x64xf32, #tpu.memory_space<vmem>>
        %dma_wait3A_77 = tpu.memref_squeeze %dma_wait3A_76 : memref<1x64x64xf32, #tpu.memory_space<vmem>> -> memref<64x64xf32, #tpu.memory_space<vmem>>
        %dma_wait3A_78 = arith.constant 0 : i32
        %dma_wait3A_79 = tpu.memref_slice %arg7[%sub3A_71, %dma_wait3A_78] : memref<157x64xi32, #tpu.memory_space<vmem>> -> memref<1x64xi32, #tpu.memory_space<vmem>>
        %dma_wait3A_80 = tpu.memref_squeeze %dma_wait3A_79 : memref<1x64xi32, #tpu.memory_space<vmem>> -> memref<64xi32, #tpu.memory_space<vmem>>
        %dma_wait3A_81 = arith.constant 0 : i32
        %dma_wait3A_82 = arith.constant 0 : i32
        %dma_wait3A_83 = tpu.memref_slice %arg9[%dma_wait3A_81, %dma_wait3A_82] : memref<10240x64xf32, #tpu.memory_space<vmem_shared>> -> memref<10240x64xf32, #tpu.memory_space<vmem_shared>>
        %dma_wait3A_84 = tpu.memref_slice %arg11[%rem3A_73] : memref<3x!tpu.dma_semaphore, #tpu.memory_space<semaphore_mem>> -> memref<1x!tpu.dma_semaphore, #tpu.memory_space<semaphore_mem>>
        %dma_wait3A_85 = tpu.memref_squeeze %dma_wait3A_84 : memref<1x!tpu.dma_semaphore, #tpu.memory_space<semaphore_mem>> -> memref<!tpu.dma_semaphore, #tpu.memory_space<semaphore_mem>>
        tpu.wait_indirect_dma semaphore(%dma_wait3A_85 : memref<!tpu.dma_semaphore, #tpu.memory_space<semaphore_mem>>) src(%dma_wait3A_77 : memref<64x64xf32, #tpu.memory_space<vmem>>) dst(%dma_wait3A_83 : memref<10240x64xf32, #tpu.memory_space<vmem_shared>>)
        %sub3A_86 = arith.constant 1 : i32
        %sub3A_87 = arith.subi %scan3A_41, %sub3A_86 : i32
        %add3A_88 = arith.constant 3 : i32
        %add3A_89 = arith.addi %sub3A_87, %add3A_88 : i32
        %lt3A = arith.constant 157 : i32
        %lt3A_90 = arith.cmpi slt, %add3A_89, %lt3A : i32
        %convert_element_type3A_91 = arith.extui %lt3A_90 : i1 to i32
        %cond3A_92 = arith.constant 0 : i32
        %cond3A_93 = arith.cmpi ne, %convert_element_type3A_91, %cond3A_92 : i32
        scf.if %cond3A_93 {
          %sub3A_94 = arith.constant 1 : i32
          %sub3A_95 = arith.subi %scan3A_41, %sub3A_94 : i32
          %add3A_96 = arith.constant 3 : i32
          %add3A_97 = arith.addi %sub3A_95, %add3A_96 : i32
          %rem3A_98 = arith.constant 3 : i32
          %rem3A_99 = arith.remsi %add3A_97, %rem3A_98 : i32
          %dma_start3A_100 = arith.constant 0 : i32
          %dma_start3A_101 = arith.constant 0 : i32
          %dma_start3A_102 = tpu.memref_slice %arg8[%rem3A_99, %dma_start3A_100, %dma_start3A_101] : memref<3x64x64xf32, #tpu.memory_space<vmem>> -> memref<1x64x64xf32, #tpu.memory_space<vmem>>
          %dma_start3A_103 = tpu.memref_squeeze %dma_start3A_102 : memref<1x64x64xf32, #tpu.memory_space<vmem>> -> memref<64x64xf32, #tpu.memory_space<vmem>>
          %dma_start3A_104 = arith.constant 0 : i32
          %dma_start3A_105 = tpu.memref_slice %arg6[%add3A_97, %dma_start3A_104] : memref<157x64xi32, #tpu.memory_space<vmem>> -> memref<1x64xi32, #tpu.memory_space<vmem>>
          %dma_start3A_106 = tpu.memref_squeeze %dma_start3A_105 : memref<1x64xi32, #tpu.memory_space<vmem>> -> memref<64xi32, #tpu.memory_space<vmem>>
          %dma_start3A_107 = arith.constant 0 : i32
          %dma_start3A_108 = arith.constant 0 : i32
          %dma_start3A_109 = tpu.memref_slice %arg2[%dma_start3A_107, %dma_start3A_108] : memref<10240x64xf32, #tpu.memory_space<hbm>> -> memref<10240x64xf32, #tpu.memory_space<hbm>>
          %dma_start3A_110 = tpu.memref_slice %arg10[%rem3A_99] : memref<3x!tpu.dma_semaphore, #tpu.memory_space<semaphore_mem>> -> memref<1x!tpu.dma_semaphore, #tpu.memory_space<semaphore_mem>>
          %dma_start3A_111 = tpu.memref_squeeze %dma_start3A_110 : memref<1x!tpu.dma_semaphore, #tpu.memory_space<semaphore_mem>> -> memref<!tpu.dma_semaphore, #tpu.memory_space<semaphore_mem>>
          tpu.enqueue_indirect_dma source(%dma_start3A_109 : memref<10240x64xf32, #tpu.memory_space<hbm>>) target(%dma_start3A_103 : memref<64x64xf32, #tpu.memory_space<vmem>>) offsets(%dma_start3A_106 : memref<64xi32, #tpu.memory_space<vmem>>) semaphore(%dma_start3A_111 : memref<!tpu.dma_semaphore, #tpu.memory_space<semaphore_mem>>)
        } else {
        }
      } else {
      }
    }
    %scan3A_25 = arith.constant 157 : i32
    %rem3A = arith.constant 156 : i32
    %rem3A_26 = arith.constant 3 : i32
    %rem3A_27 = arith.remsi %rem3A, %rem3A_26 : i32
    %dma_wait3A = arith.constant 156 : i32
    %dma_wait3A_28 = arith.constant 0 : i32
    %dma_wait3A_29 = arith.constant 0 : i32
    %dma_wait3A_30 = tpu.memref_slice %arg8[%rem3A_27, %dma_wait3A_28, %dma_wait3A_29] : memref<3x64x64xf32, #tpu.memory_space<vmem>> -> memref<1x64x64xf32, #tpu.memory_space<vmem>>
    %dma_wait3A_31 = tpu.memref_squeeze %dma_wait3A_30 : memref<1x64x64xf32, #tpu.memory_space<vmem>> -> memref<64x64xf32, #tpu.memory_space<vmem>>
    %dma_wait3A_32 = arith.constant 0 : i32
    %dma_wait3A_33 = tpu.memref_slice %arg7[%dma_wait3A, %dma_wait3A_32] : memref<157x64xi32, #tpu.memory_space<vmem>> -> memref<1x64xi32, #tpu.memory_space<vmem>>
    %dma_wait3A_34 = tpu.memref_squeeze %dma_wait3A_33 : memref<1x64xi32, #tpu.memory_space<vmem>> -> memref<64xi32, #tpu.memory_space<vmem>>
    %dma_wait3A_35 = arith.constant 0 : i32
    %dma_wait3A_36 = arith.constant 0 : i32
    %dma_wait3A_37 = tpu.memref_slice %arg9[%dma_wait3A_35, %dma_wait3A_36] : memref<10240x64xf32, #tpu.memory_space<vmem_shared>> -> memref<10240x64xf32, #tpu.memory_space<vmem_shared>>
    %dma_wait3A_38 = tpu.memref_slice %arg11[%rem3A_27] : memref<3x!tpu.dma_semaphore, #tpu.memory_space<semaphore_mem>> -> memref<1x!tpu.dma_semaphore, #tpu.memory_space<semaphore_mem>>
    %dma_wait3A_39 = tpu.memref_squeeze %dma_wait3A_38 : memref<1x!tpu.dma_semaphore, #tpu.memory_space<semaphore_mem>> -> memref<!tpu.dma_semaphore, #tpu.memory_space<semaphore_mem>>
    tpu.wait_indirect_dma semaphore(%dma_wait3A_39 : memref<!tpu.dma_semaphore, #tpu.memory_space<semaphore_mem>>) src(%dma_wait3A_31 : memref<64x64xf32, #tpu.memory_space<vmem>>) dst(%dma_wait3A_37 : memref<10240x64xf32, #tpu.memory_space<vmem_shared>>)
    %barrier3A_40 = arith.constant 0 : index
    tpu.barrier barrier_id(%barrier3A_40)
    "tpu.region"() ({
      %run_scoped3A = tpu.sem_alloc : memref<!tpu.dma_semaphore, #tpu.memory_space<semaphore_mem>>
      %dma_start3A = arith.constant 0 : i32
      %dma_start3A_41 = tpu.memref_slice %arg5[%arg0, %mul3A_2, %dma_start3A] : memref<2x10240x64xf32, #tpu.memory_space<hbm>> -> memref<1x640x64xf32, #tpu.memory_space<hbm>>
      %dma_start3A_42 = tpu.memref_squeeze %dma_start3A_41 : memref<1x640x64xf32, #tpu.memory_space<hbm>> -> memref<640x64xf32, #tpu.memory_space<hbm>>
      %dma_start3A_43 = arith.constant 0 : i32
      %dma_start3A_44 = tpu.memref_slice %arg9[%mul3A_2, %dma_start3A_43] : memref<10240x64xf32, #tpu.memory_space<vmem_shared>> -> memref<640x64xf32, #tpu.memory_space<vmem_shared>>
      tpu.enqueue_dma source(%dma_start3A_44 : memref<640x64xf32, #tpu.memory_space<vmem_shared>>) target(%dma_start3A_42 : memref<640x64xf32, #tpu.memory_space<hbm>>) target_semaphore(%run_scoped3A : memref<!tpu.dma_semaphore, #tpu.memory_space<semaphore_mem>>)
      %dma_wait3A_45 = arith.constant 0 : i32
      %dma_wait3A_46 = tpu.memref_slice %arg5[%arg0, %mul3A_2, %dma_wait3A_45] : memref<2x10240x64xf32, #tpu.memory_space<hbm>> -> memref<1x640x64xf32, #tpu.memory_space<hbm>>
      %dma_wait3A_47 = tpu.memref_squeeze %dma_wait3A_46 : memref<1x640x64xf32, #tpu.memory_space<hbm>> -> memref<640x64xf32, #tpu.memory_space<hbm>>
      %dma_wait3A_48 = arith.constant 0 : i32
      %dma_wait3A_49 = tpu.memref_slice %arg9[%mul3A_2, %dma_wait3A_48] : memref<10240x64xf32, #tpu.memory_space<vmem_shared>> -> memref<640x64xf32, #tpu.memory_space<vmem_shared>>
      tpu.wait_dma2 semaphore(%run_scoped3A : memref<!tpu.dma_semaphore, #tpu.memory_space<semaphore_mem>>) src(%dma_wait3A_49 : memref<640x64xf32, #tpu.memory_space<vmem_shared>>) dst(%dma_wait3A_47 : memref<640x64xf32, #tpu.memory_space<hbm>>)
      tpu.yield
    }) : () -> ()
    return
  }
}

#map = affine_map<(d0, d1) -> (0, 0, 0)>
module attributes {stable_mosaic.version = 14 : i64} {
  func.func @_deg_kernel(%arg0: i32, %arg1: i32, %arg2: memref<32x157x64xi32, #tpu.memory_space<hbm>>, %arg3: memref<32x157x64xi32, #tpu.memory_space<hbm>>, %arg4: memref<2x2x10240xf32, #tpu.memory_space<hbm>>, %arg5: memref<157x64xi32, #tpu.memory_space<vmem>>, %arg6: memref<157x64xi32, #tpu.memory_space<vmem>>, %arg7: memref<64xf32, #tpu.memory_space<vmem>>, %arg8: memref<640xf32, #tpu.memory_space<vmem>>, %arg9: memref<10240xf32, #tpu.memory_space<vmem_shared>>, %arg10: memref<10240xf32, #tpu.memory_space<vmem_shared>>, %arg11: memref<!tpu.dma_semaphore, #tpu.memory_space<semaphore_mem>>) attributes {dimension_semantics = [#tpu.dimension_semantics<core_parallel>, #tpu.dimension_semantics<subcore_parallel>], iteration_bounds = array<i64: 2, 16>, scalar_prefetch = 0 : i64, scratch_operands = 7 : i64, tpu.core_type = #tpu.core_type<sc_vector_subcore>, window_params = [{transform_indices = #map}, {transform_indices = #map}, {transform_indices = #map}]} {
    %mul3A = arith.constant 16 : i32
    %mul3A_0 = arith.muli %arg0, %mul3A : i32
    %add3A = arith.addi %mul3A_0, %arg1 : i32
    %mul3A_1 = arith.constant 640 : i32
    %mul3A_2 = arith.muli %arg1, %mul3A_1 : i32
    %scan3A = arith.constant 0 : i32
    %scan3A_3 = arith.constant 0 : i32
    %scan3A_4 = arith.constant 40 : i32
    %scan3A_5 = arith.addi %scan3A_3, %scan3A_4 : i32
    %scan3A_6 = arith.constant 1 : i32
    scf.for %scan3A_34 = %scan3A_3 to %scan3A_5 step %scan3A_6  : i32 {
      %broadcast_in_dim3A = arith.constant 0.000000e+00 : f32
      %broadcast_in_dim3A_35 = vector.broadcast %broadcast_in_dim3A : f32 to vector<16xf32>
      %mul3A_36 = arith.constant 16 : i32
      %mul3A_37 = arith.muli %scan3A_34, %mul3A_36 : i32
      %swap3A = arith.index_cast %mul3A_37 : i32 to index
      %swap3A_38 = tpu.vector_load %arg8[%swap3A] {strides = array<i32>} : memref<640xf32, #tpu.memory_space<vmem>>, vector<16xf32>,
      %swap3A_39 = vector.shape_cast %swap3A_38 : vector<16xf32> to vector<16xf32>
      %swap3A_40 = vector.shape_cast %broadcast_in_dim3A_35 : vector<16xf32> to vector<16xf32>
      tpu.vector_store %arg8[%swap3A], %swap3A_40 {strides = array<i32>} : memref<640xf32, #tpu.memory_space<vmem>>, vector<16xf32>,
    }
    %scan3A_7 = arith.constant 40 : i32
    %scan3A_8 = arith.constant 0 : i32
    %scan3A_9 = arith.constant 0 : i32
    %scan3A_10 = arith.constant 4 : i32
    %scan3A_11 = arith.addi %scan3A_9, %scan3A_10 : i32
    %scan3A_12 = arith.constant 1 : i32
    scf.for %scan3A_34 = %scan3A_9 to %scan3A_11 step %scan3A_12  : i32 {
      %broadcast_in_dim3A = arith.constant 1.000000e+00 : f32
      %broadcast_in_dim3A_35 = vector.broadcast %broadcast_in_dim3A : f32 to vector<16xf32>
      %mul3A_36 = arith.constant 16 : i32
      %mul3A_37 = arith.muli %scan3A_34, %mul3A_36 : i32
      %swap3A = arith.index_cast %mul3A_37 : i32 to index
      %swap3A_38 = tpu.vector_load %arg7[%swap3A] {strides = array<i32>} : memref<64xf32, #tpu.memory_space<vmem>>, vector<16xf32>,
      %swap3A_39 = vector.shape_cast %swap3A_38 : vector<16xf32> to vector<16xf32>
      %swap3A_40 = vector.shape_cast %broadcast_in_dim3A_35 : vector<16xf32> to vector<16xf32>
      tpu.vector_store %arg7[%swap3A], %swap3A_40 {strides = array<i32>} : memref<64xf32, #tpu.memory_space<vmem>>, vector<16xf32>,
    }
    %scan3A_13 = arith.constant 4 : i32
    "tpu.region"() ({
      %run_scoped3A_34 = tpu.sem_alloc : memref<!tpu.dma_semaphore, #tpu.memory_space<semaphore_mem>>
      %dma_start3A = tpu.memref_slice %arg9[%mul3A_2] : memref<10240xf32, #tpu.memory_space<vmem_shared>> -> memref<640xf32, #tpu.memory_space<vmem_shared>>
      %dma_start3A_35 = tpu.memref_slice %arg9[%mul3A_2] : memref<10240xf32, #tpu.memory_space<vmem_shared>> -> memref<640xf32, #tpu.memory_space<vmem_shared>>
      tpu.enqueue_dma source(%arg8 : memref<640xf32, #tpu.memory_space<vmem>>) target(%dma_start3A_35 : memref<640xf32, #tpu.memory_space<vmem_shared>>) target_semaphore(%run_scoped3A_34 : memref<!tpu.dma_semaphore, #tpu.memory_space<semaphore_mem>>)
      %dma_wait3A = tpu.memref_slice %arg9[%mul3A_2] : memref<10240xf32, #tpu.memory_space<vmem_shared>> -> memref<640xf32, #tpu.memory_space<vmem_shared>>
      %dma_wait3A_36 = tpu.memref_slice %arg9[%mul3A_2] : memref<10240xf32, #tpu.memory_space<vmem_shared>> -> memref<640xf32, #tpu.memory_space<vmem_shared>>
      tpu.wait_dma2 semaphore(%run_scoped3A_34 : memref<!tpu.dma_semaphore, #tpu.memory_space<semaphore_mem>>) src(%arg8 : memref<640xf32, #tpu.memory_space<vmem>>) dst(%dma_wait3A_36 : memref<640xf32, #tpu.memory_space<vmem_shared>>)
      tpu.yield
    }) : () -> ()
    "tpu.region"() ({
      %run_scoped3A_34 = tpu.sem_alloc : memref<!tpu.dma_semaphore, #tpu.memory_space<semaphore_mem>>
      %dma_start3A = tpu.memref_slice %arg10[%mul3A_2] : memref<10240xf32, #tpu.memory_space<vmem_shared>> -> memref<640xf32, #tpu.memory_space<vmem_shared>>
      %dma_start3A_35 = tpu.memref_slice %arg10[%mul3A_2] : memref<10240xf32, #tpu.memory_space<vmem_shared>> -> memref<640xf32, #tpu.memory_space<vmem_shared>>
      tpu.enqueue_dma source(%arg8 : memref<640xf32, #tpu.memory_space<vmem>>) target(%dma_start3A_35 : memref<640xf32, #tpu.memory_space<vmem_shared>>) target_semaphore(%run_scoped3A_34 : memref<!tpu.dma_semaphore, #tpu.memory_space<semaphore_mem>>)
      %dma_wait3A = tpu.memref_slice %arg10[%mul3A_2] : memref<10240xf32, #tpu.memory_space<vmem_shared>> -> memref<640xf32, #tpu.memory_space<vmem_shared>>
      %dma_wait3A_36 = tpu.memref_slice %arg10[%mul3A_2] : memref<10240xf32, #tpu.memory_space<vmem_shared>> -> memref<640xf32, #tpu.memory_space<vmem_shared>>
      tpu.wait_dma2 semaphore(%run_scoped3A_34 : memref<!tpu.dma_semaphore, #tpu.memory_space<semaphore_mem>>) src(%arg8 : memref<640xf32, #tpu.memory_space<vmem>>) dst(%dma_wait3A_36 : memref<640xf32, #tpu.memory_space<vmem_shared>>)
      tpu.yield
    }) : () -> ()
    "tpu.region"() ({
      %run_scoped3A_34 = tpu.sem_alloc : memref<!tpu.dma_semaphore, #tpu.memory_space<semaphore_mem>>
      %dma_start3A = arith.constant 0 : i32
      %dma_start3A_35 = arith.constant 0 : i32
      %dma_start3A_36 = tpu.memref_slice %arg2[%add3A, %dma_start3A, %dma_start3A_35] : memref<32x157x64xi32, #tpu.memory_space<hbm>> -> memref<1x157x64xi32, #tpu.memory_space<hbm>>
      %dma_start3A_37 = tpu.memref_squeeze %dma_start3A_36 : memref<1x157x64xi32, #tpu.memory_space<hbm>> -> memref<157x64xi32, #tpu.memory_space<hbm>>
      %dma_start3A_38 = arith.constant 0 : i32
      %dma_start3A_39 = arith.constant 0 : i32
      %dma_start3A_40 = tpu.memref_slice %arg2[%add3A, %dma_start3A_38, %dma_start3A_39] : memref<32x157x64xi32, #tpu.memory_space<hbm>> -> memref<1x157x64xi32, #tpu.memory_space<hbm>>
      %dma_start3A_41 = tpu.memref_squeeze %dma_start3A_40 : memref<1x157x64xi32, #tpu.memory_space<hbm>> -> memref<157x64xi32, #tpu.memory_space<hbm>>
      tpu.enqueue_dma source(%dma_start3A_41 : memref<157x64xi32, #tpu.memory_space<hbm>>) target(%arg5 : memref<157x64xi32, #tpu.memory_space<vmem>>) target_semaphore(%run_scoped3A_34 : memref<!tpu.dma_semaphore, #tpu.memory_space<semaphore_mem>>)
      %dma_wait3A = arith.constant 0 : i32
      %dma_wait3A_42 = arith.constant 0 : i32
      %dma_wait3A_43 = tpu.memref_slice %arg2[%add3A, %dma_wait3A, %dma_wait3A_42] : memref<32x157x64xi32, #tpu.memory_space<hbm>> -> memref<1x157x64xi32, #tpu.memory_space<hbm>>
      %dma_wait3A_44 = tpu.memref_squeeze %dma_wait3A_43 : memref<1x157x64xi32, #tpu.memory_space<hbm>> -> memref<157x64xi32, #tpu.memory_space<hbm>>
      %dma_wait3A_45 = arith.constant 0 : i32
      %dma_wait3A_46 = arith.constant 0 : i32
      %dma_wait3A_47 = tpu.memref_slice %arg2[%add3A, %dma_wait3A_45, %dma_wait3A_46] : memref<32x157x64xi32, #tpu.memory_space<hbm>> -> memref<1x157x64xi32, #tpu.memory_space<hbm>>
      %dma_wait3A_48 = tpu.memref_squeeze %dma_wait3A_47 : memref<1x157x64xi32, #tpu.memory_space<hbm>> -> memref<157x64xi32, #tpu.memory_space<hbm>>
      tpu.wait_dma2 semaphore(%run_scoped3A_34 : memref<!tpu.dma_semaphore, #tpu.memory_space<semaphore_mem>>) src(%dma_wait3A_48 : memref<157x64xi32, #tpu.memory_space<hbm>>) dst(%arg5 : memref<157x64xi32, #tpu.memory_space<vmem>>)
      tpu.yield
    }) : () -> ()
    "tpu.region"() ({
      %run_scoped3A_34 = tpu.sem_alloc : memref<!tpu.dma_semaphore, #tpu.memory_space<semaphore_mem>>
      %dma_start3A = arith.constant 0 : i32
      %dma_start3A_35 = arith.constant 0 : i32
      %dma_start3A_36 = tpu.memref_slice %arg3[%add3A, %dma_start3A, %dma_start3A_35] : memref<32x157x64xi32, #tpu.memory_space<hbm>> -> memref<1x157x64xi32, #tpu.memory_space<hbm>>
      %dma_start3A_37 = tpu.memref_squeeze %dma_start3A_36 : memref<1x157x64xi32, #tpu.memory_space<hbm>> -> memref<157x64xi32, #tpu.memory_space<hbm>>
      %dma_start3A_38 = arith.constant 0 : i32
      %dma_start3A_39 = arith.constant 0 : i32
      %dma_start3A_40 = tpu.memref_slice %arg3[%add3A, %dma_start3A_38, %dma_start3A_39] : memref<32x157x64xi32, #tpu.memory_space<hbm>> -> memref<1x157x64xi32, #tpu.memory_space<hbm>>
      %dma_start3A_41 = tpu.memref_squeeze %dma_start3A_40 : memref<1x157x64xi32, #tpu.memory_space<hbm>> -> memref<157x64xi32, #tpu.memory_space<hbm>>
      tpu.enqueue_dma source(%dma_start3A_41 : memref<157x64xi32, #tpu.memory_space<hbm>>) target(%arg6 : memref<157x64xi32, #tpu.memory_space<vmem>>) target_semaphore(%run_scoped3A_34 : memref<!tpu.dma_semaphore, #tpu.memory_space<semaphore_mem>>)
      %dma_wait3A = arith.constant 0 : i32
      %dma_wait3A_42 = arith.constant 0 : i32
      %dma_wait3A_43 = tpu.memref_slice %arg3[%add3A, %dma_wait3A, %dma_wait3A_42] : memref<32x157x64xi32, #tpu.memory_space<hbm>> -> memref<1x157x64xi32, #tpu.memory_space<hbm>>
      %dma_wait3A_44 = tpu.memref_squeeze %dma_wait3A_43 : memref<1x157x64xi32, #tpu.memory_space<hbm>> -> memref<157x64xi32, #tpu.memory_space<hbm>>
      %dma_wait3A_45 = arith.constant 0 : i32
      %dma_wait3A_46 = arith.constant 0 : i32
      %dma_wait3A_47 = tpu.memref_slice %arg3[%add3A, %dma_wait3A_45, %dma_wait3A_46] : memref<32x157x64xi32, #tpu.memory_space<hbm>> -> memref<1x157x64xi32, #tpu.memory_space<hbm>>
      %dma_wait3A_48 = tpu.memref_squeeze %dma_wait3A_47 : memref<1x157x64xi32, #tpu.memory_space<hbm>> -> memref<157x64xi32, #tpu.memory_space<hbm>>
      tpu.wait_dma2 semaphore(%run_scoped3A_34 : memref<!tpu.dma_semaphore, #tpu.memory_space<semaphore_mem>>) src(%dma_wait3A_48 : memref<157x64xi32, #tpu.memory_space<hbm>>) dst(%arg6 : memref<157x64xi32, #tpu.memory_space<vmem>>)
      tpu.yield
    }) : () -> ()
    %barrier3A = arith.constant 0 : index
    tpu.barrier barrier_id(%barrier3A)
    %scan3A_14 = arith.constant 0 : i32
    %scan3A_15 = arith.constant 0 : i32
    %scan3A_16 = arith.constant 8 : i32
    %scan3A_17 = arith.addi %scan3A_15, %scan3A_16 : i32
    %scan3A_18 = arith.constant 1 : i32
    scf.for %scan3A_34 = %scan3A_15 to %scan3A_17 step %scan3A_18  : i32 {
      %rem3A = arith.constant 157 : i32
      %rem3A_35 = arith.remsi %scan3A_34, %rem3A : i32
      %lt3A = arith.constant 157 : i32
      %lt3A_36 = arith.cmpi slt, %scan3A_34, %lt3A : i32
      %convert_element_type3A = arith.extui %lt3A_36 : i1 to i32
      %cond3A = arith.constant 0 : i32
      %cond3A_37 = arith.cmpi ne, %convert_element_type3A, %cond3A : i32
      scf.if %cond3A_37 {
        %dma_start3A = arith.constant 0 : i32
        %dma_start3A_42 = tpu.memref_slice %arg5[%rem3A_35, %dma_start3A] : memref<157x64xi32, #tpu.memory_space<vmem>> -> memref<1x64xi32, #tpu.memory_space<vmem>>
        %dma_start3A_43 = tpu.memref_squeeze %dma_start3A_42 : memref<1x64xi32, #tpu.memory_space<vmem>> -> memref<64xi32, #tpu.memory_space<vmem>>
        %dma_start3A_44 = arith.constant 0 : i32
        %dma_start3A_45 = tpu.memref_slice %arg9[%dma_start3A_44] : memref<10240xf32, #tpu.memory_space<vmem_shared>> -> memref<10240xf32, #tpu.memory_space<vmem_shared>>
        tpu.enqueue_indirect_dma source(%arg7 : memref<64xf32, #tpu.memory_space<vmem>>) target(%dma_start3A_45 : memref<10240xf32, #tpu.memory_space<vmem_shared>>) offsets(%dma_start3A_43 : memref<64xi32, #tpu.memory_space<vmem>>) semaphore(%arg11 : memref<!tpu.dma_semaphore, #tpu.memory_space<semaphore_mem>>) {add = true}
      } else {
      }
      %ge3A = arith.constant 157 : i32
      %ge3A_38 = arith.cmpi sge, %scan3A_34, %ge3A : i32
      %convert_element_type3A_39 = arith.extui %ge3A_38 : i1 to i32
      %cond3A_40 = arith.constant 0 : i32
      %cond3A_41 = arith.cmpi ne, %convert_element_type3A_39, %cond3A_40 : i32
      scf.if %cond3A_41 {
        %dma_start3A = arith.constant 0 : i32
        %dma_start3A_42 = tpu.memref_slice %arg6[%rem3A_35, %dma_start3A] : memref<157x64xi32, #tpu.memory_space<vmem>> -> memref<1x64xi32, #tpu.memory_space<vmem>>
        %dma_start3A_43 = tpu.memref_squeeze %dma_start3A_42 : memref<1x64xi32, #tpu.memory_space<vmem>> -> memref<64xi32, #tpu.memory_space<vmem>>
        %dma_start3A_44 = arith.constant 0 : i32
        %dma_start3A_45 = tpu.memref_slice %arg10[%dma_start3A_44] : memref<10240xf32, #tpu.memory_space<vmem_shared>> -> memref<10240xf32, #tpu.memory_space<vmem_shared>>
        tpu.enqueue_indirect_dma source(%arg7 : memref<64xf32, #tpu.memory_space<vmem>>) target(%dma_start3A_45 : memref<10240xf32, #tpu.memory_space<vmem_shared>>) offsets(%dma_start3A_43 : memref<64xi32, #tpu.memory_space<vmem>>) semaphore(%arg11 : memref<!tpu.dma_semaphore, #tpu.memory_space<semaphore_mem>>) {add = true}
      } else {
      }
    }
    %scan3A_19 = arith.constant 8 : i32
    %scan3A_20 = arith.constant 0 : i32
    %scan3A_21 = arith.constant 0 : i32
    %scan3A_22 = arith.constant 306 : i32
    %scan3A_23 = arith.addi %scan3A_21, %scan3A_22 : i32
    %scan3A_24 = arith.constant 1 : i32
    scf.for %scan3A_34 = %scan3A_21 to %scan3A_23 step %scan3A_24  : i32 {
      %add3A_35 = arith.constant 8 : i32
      %add3A_36 = arith.addi %scan3A_34, %add3A_35 : i32
      %rem3A = arith.constant 157 : i32
      %rem3A_37 = arith.remsi %add3A_36, %rem3A : i32
      %lt3A = arith.constant 157 : i32
      %lt3A_38 = arith.cmpi slt, %add3A_36, %lt3A : i32
      %convert_element_type3A = arith.extui %lt3A_38 : i1 to i32
      %cond3A = arith.constant 0 : i32
      %cond3A_39 = arith.cmpi ne, %convert_element_type3A, %cond3A : i32
      scf.if %cond3A_39 {
        %dma_start3A = arith.constant 0 : i32
        %dma_start3A_49 = tpu.memref_slice %arg5[%rem3A_37, %dma_start3A] : memref<157x64xi32, #tpu.memory_space<vmem>> -> memref<1x64xi32, #tpu.memory_space<vmem>>
        %dma_start3A_50 = tpu.memref_squeeze %dma_start3A_49 : memref<1x64xi32, #tpu.memory_space<vmem>> -> memref<64xi32, #tpu.memory_space<vmem>>
        %dma_start3A_51 = arith.constant 0 : i32
        %dma_start3A_52 = tpu.memref_slice %arg9[%dma_start3A_51] : memref<10240xf32, #tpu.memory_space<vmem_shared>> -> memref<10240xf32, #tpu.memory_space<vmem_shared>>
        tpu.enqueue_indirect_dma source(%arg7 : memref<64xf32, #tpu.memory_space<vmem>>) target(%dma_start3A_52 : memref<10240xf32, #tpu.memory_space<vmem_shared>>) offsets(%dma_start3A_50 : memref<64xi32, #tpu.memory_space<vmem>>) semaphore(%arg11 : memref<!tpu.dma_semaphore, #tpu.memory_space<semaphore_mem>>) {add = true}
      } else {
      }
      %ge3A = arith.constant 157 : i32
      %ge3A_40 = arith.cmpi sge, %add3A_36, %ge3A : i32
      %convert_element_type3A_41 = arith.extui %ge3A_40 : i1 to i32
      %cond3A_42 = arith.constant 0 : i32
      %cond3A_43 = arith.cmpi ne, %convert_element_type3A_41, %cond3A_42 : i32
      scf.if %cond3A_43 {
        %dma_start3A = arith.constant 0 : i32
        %dma_start3A_49 = tpu.memref_slice %arg6[%rem3A_37, %dma_start3A] : memref<157x64xi32, #tpu.memory_space<vmem>> -> memref<1x64xi32, #tpu.memory_space<vmem>>
        %dma_start3A_50 = tpu.memref_squeeze %dma_start3A_49 : memref<1x64xi32, #tpu.memory_space<vmem>> -> memref<64xi32, #tpu.memory_space<vmem>>
        %dma_start3A_51 = arith.constant 0 : i32
        %dma_start3A_52 = tpu.memref_slice %arg10[%dma_start3A_51] : memref<10240xf32, #tpu.memory_space<vmem_shared>> -> memref<10240xf32, #tpu.memory_space<vmem_shared>>
        tpu.enqueue_indirect_dma source(%arg7 : memref<64xf32, #tpu.memory_space<vmem>>) target(%dma_start3A_52 : memref<10240xf32, #tpu.memory_space<vmem_shared>>) offsets(%dma_start3A_50 : memref<64xi32, #tpu.memory_space<vmem>>) semaphore(%arg11 : memref<!tpu.dma_semaphore, #tpu.memory_space<semaphore_mem>>) {add = true}
      } else {
      }
      %dma_wait3A = arith.constant 0 : i32
      %dma_wait3A_44 = arith.constant 0 : i32
      %dma_wait3A_45 = tpu.memref_slice %arg5[%dma_wait3A, %dma_wait3A_44] : memref<157x64xi32, #tpu.memory_space<vmem>> -> memref<1x64xi32, #tpu.memory_space<vmem>>
      %dma_wait3A_46 = tpu.memref_squeeze %dma_wait3A_45 : memref<1x64xi32, #tpu.memory_space<vmem>> -> memref<64xi32, #tpu.memory_space<vmem>>
      %dma_wait3A_47 = arith.constant 0 : i32
      %dma_wait3A_48 = tpu.memref_slice %arg9[%dma_wait3A_47] : memref<10240xf32, #tpu.memory_space<vmem_shared>> -> memref<10240xf32, #tpu.memory_space<vmem_shared>>
      tpu.wait_indirect_dma semaphore(%arg11 : memref<!tpu.dma_semaphore, #tpu.memory_space<semaphore_mem>>) src(%arg7 : memref<64xf32, #tpu.memory_space<vmem>>) dst(%dma_wait3A_48 : memref<10240xf32, #tpu.memory_space<vmem_shared>>)
    }
    %scan3A_25 = arith.constant 306 : i32
    %scan3A_26 = arith.constant 0 : i32
    %scan3A_27 = arith.constant 0 : i32
    %scan3A_28 = arith.constant 8 : i32
    %scan3A_29 = arith.addi %scan3A_27, %scan3A_28 : i32
    %scan3A_30 = arith.constant 1 : i32
    scf.for %scan3A_34 = %scan3A_27 to %scan3A_29 step %scan3A_30  : i32 {
      %dma_wait3A = arith.constant 0 : i32
      %dma_wait3A_35 = arith.constant 0 : i32
      %dma_wait3A_36 = tpu.memref_slice %arg5[%dma_wait3A, %dma_wait3A_35] : memref<157x64xi32, #tpu.memory_space<vmem>> -> memref<1x64xi32, #tpu.memory_space<vmem>>
      %dma_wait3A_37 = tpu.memref_squeeze %dma_wait3A_36 : memref<1x64xi32, #tpu.memory_space<vmem>> -> memref<64xi32, #tpu.memory_space<vmem>>
      %dma_wait3A_38 = arith.constant 0 : i32
      %dma_wait3A_39 = tpu.memref_slice %arg9[%dma_wait3A_38] : memref<10240xf32, #tpu.memory_space<vmem_shared>> -> memref<10240xf32, #tpu.memory_space<vmem_shared>>
      tpu.wait_indirect_dma semaphore(%arg11 : memref<!tpu.dma_semaphore, #tpu.memory_space<semaphore_mem>>) src(%arg7 : memref<64xf32, #tpu.memory_space<vmem>>) dst(%dma_wait3A_39 : memref<10240xf32, #tpu.memory_space<vmem_shared>>)
    }
    %scan3A_31 = arith.constant 8 : i32
    %barrier3A_32 = arith.constant 0 : index
    tpu.barrier barrier_id(%barrier3A_32)
    %run_scoped3A = arith.constant 0 : i32
    "tpu.region"() ({
      %run_scoped3A_34 = tpu.sem_alloc : memref<!tpu.dma_semaphore, #tpu.memory_space<semaphore_mem>>
      %dma_start3A = tpu.memref_slice %arg4[%arg0, %run_scoped3A, %mul3A_2] : memref<2x2x10240xf32, #tpu.memory_space<hbm>> -> memref<1x1x640xf32, #tpu.memory_space<hbm>>
      %dma_start3A_35 = tpu.memref_squeeze %dma_start3A : memref<1x1x640xf32, #tpu.memory_space<hbm>> -> memref<640xf32, #tpu.memory_space<hbm>>
      %dma_start3A_36 = tpu.memref_slice %arg9[%mul3A_2] : memref<10240xf32, #tpu.memory_space<vmem_shared>> -> memref<640xf32, #tpu.memory_space<vmem_shared>>
      tpu.enqueue_dma source(%dma_start3A_36 : memref<640xf32, #tpu.memory_space<vmem_shared>>) target(%dma_start3A_35 : memref<640xf32, #tpu.memory_space<hbm>>) target_semaphore(%run_scoped3A_34 : memref<!tpu.dma_semaphore, #tpu.memory_space<semaphore_mem>>)
      %dma_wait3A = tpu.memref_slice %arg4[%arg0, %run_scoped3A, %mul3A_2] : memref<2x2x10240xf32, #tpu.memory_space<hbm>> -> memref<1x1x640xf32, #tpu.memory_space<hbm>>
      %dma_wait3A_37 = tpu.memref_squeeze %dma_wait3A : memref<1x1x640xf32, #tpu.memory_space<hbm>> -> memref<640xf32, #tpu.memory_space<hbm>>
      %dma_wait3A_38 = tpu.memref_slice %arg9[%mul3A_2] : memref<10240xf32, #tpu.memory_space<vmem_shared>> -> memref<640xf32, #tpu.memory_space<vmem_shared>>
      tpu.wait_dma2 semaphore(%run_scoped3A_34 : memref<!tpu.dma_semaphore, #tpu.memory_space<semaphore_mem>>) src(%dma_wait3A_38 : memref<640xf32, #tpu.memory_space<vmem_shared>>) dst(%dma_wait3A_37 : memref<640xf32, #tpu.memory_space<hbm>>)
      tpu.yield
    }) : () -> ()
    %run_scoped3A_33 = arith.constant 1 : i32
    "tpu.region"() ({
      %run_scoped3A_34 = tpu.sem_alloc : memref<!tpu.dma_semaphore, #tpu.memory_space<semaphore_mem>>
      %dma_start3A = tpu.memref_slice %arg4[%arg0, %run_scoped3A_33, %mul3A_2] : memref<2x2x10240xf32, #tpu.memory_space<hbm>> -> memref<1x1x640xf32, #tpu.memory_space<hbm>>
      %dma_start3A_35 = tpu.memref_squeeze %dma_start3A : memref<1x1x640xf32, #tpu.memory_space<hbm>> -> memref<640xf32, #tpu.memory_space<hbm>>
      %dma_start3A_36 = tpu.memref_slice %arg10[%mul3A_2] : memref<10240xf32, #tpu.memory_space<vmem_shared>> -> memref<640xf32, #tpu.memory_space<vmem_shared>>
      tpu.enqueue_dma source(%dma_start3A_36 : memref<640xf32, #tpu.memory_space<vmem_shared>>) target(%dma_start3A_35 : memref<640xf32, #tpu.memory_space<hbm>>) target_semaphore(%run_scoped3A_34 : memref<!tpu.dma_semaphore, #tpu.memory_space<semaphore_mem>>)
      %dma_wait3A = tpu.memref_slice %arg4[%arg0, %run_scoped3A_33, %mul3A_2] : memref<2x2x10240xf32, #tpu.memory_space<hbm>> -> memref<1x1x640xf32, #tpu.memory_space<hbm>>
      %dma_wait3A_37 = tpu.memref_squeeze %dma_wait3A : memref<1x1x640xf32, #tpu.memory_space<hbm>> -> memref<640xf32, #tpu.memory_space<hbm>>
      %dma_wait3A_38 = tpu.memref_slice %arg10[%mul3A_2] : memref<10240xf32, #tpu.memory_space<vmem_shared>> -> memref<640xf32, #tpu.memory_space<vmem_shared>>
      tpu.wait_dma2 semaphore(%run_scoped3A_34 : memref<!tpu.dma_semaphore, #tpu.memory_space<semaphore_mem>>) src(%dma_wait3A_38 : memref<640xf32, #tpu.memory_space<vmem_shared>>) dst(%dma_wait3A_37 : memref<640xf32, #tpu.memory_space<hbm>>)
      tpu.yield
    }) : () -> ()
    return
  }
}

#map = affine_map<(d0, d1) -> (0, 0)>
#map1 = affine_map<(d0, d1) -> (0, 0, 0)>
module attributes {stable_mosaic.version = 14 : i64} {
  func.func @agg(%arg0: i32, %arg1: i32, %arg2: memref<10240x128xf32, #tpu.memory_space<hbm>>, %arg3: memref<32x157x64xi32, #tpu.memory_space<hbm>>, %arg4: memref<32x157x64xi32, #tpu.memory_space<hbm>>, %arg5: memref<2x10240x128xf32, #tpu.memory_space<hbm>>, %arg6: memref<157x64xi32, #tpu.memory_space<vmem>>, %arg7: memref<157x64xi32, #tpu.memory_space<vmem>>, %arg8: memref<3x64x128xf32, #tpu.memory_space<vmem>>, %arg9: memref<10240x128xf32, #tpu.memory_space<vmem_shared>>, %arg10: memref<3x!tpu.dma_semaphore, #tpu.memory_space<semaphore_mem>>, %arg11: memref<3x!tpu.dma_semaphore, #tpu.memory_space<semaphore_mem>>) attributes {dimension_semantics = [#tpu.dimension_semantics<core_parallel>, #tpu.dimension_semantics<subcore_parallel>], iteration_bounds = array<i64: 2, 16>, scalar_prefetch = 0 : i64, scratch_operands = 6 : i64, tpu.core_type = #tpu.core_type<sc_vector_subcore>, window_params = [{transform_indices = #map}, {transform_indices = #map1}, {transform_indices = #map1}, {transform_indices = #map1}]} {
    %mul3A = arith.constant 16 : i32
    %mul3A_0 = arith.muli %arg0, %mul3A : i32
    %add3A = arith.addi %mul3A_0, %arg1 : i32
    %mul3A_1 = arith.constant 640 : i32
    %mul3A_2 = arith.muli %arg1, %mul3A_1 : i32
    %scan3A = arith.constant 0 : i32
    %scan3A_3 = arith.constant 0 : i32
    %scan3A_4 = arith.constant 512 : i32
    %scan3A_5 = arith.addi %scan3A_3, %scan3A_4 : i32
    %scan3A_6 = arith.constant 1 : i32
    scf.for %scan3A_41 = %scan3A_3 to %scan3A_5 step %scan3A_6  : i32 {
      %broadcast_in_dim3A = arith.constant 0.000000e+00 : f32
      %broadcast_in_dim3A_42 = vector.broadcast %broadcast_in_dim3A : f32 to vector<16xf32>
      %div3A = arith.constant 8 : i32
      %div3A_43 = arith.divsi %scan3A_41, %div3A : i32
      %rem3A_44 = arith.constant 8 : i32
      %rem3A_45 = arith.remsi %scan3A_41, %rem3A_44 : i32
      %mul3A_46 = arith.constant 16 : i32
      %mul3A_47 = arith.muli %rem3A_45, %mul3A_46 : i32
      %swap3A = arith.constant 0 : i32
      %swap3A_48 = arith.index_cast %swap3A : i32 to index
      %swap3A_49 = arith.index_cast %div3A_43 : i32 to index
      %swap3A_50 = arith.index_cast %mul3A_47 : i32 to index
      %swap3A_51 = tpu.vector_load %arg8[%swap3A_48, %swap3A_49, %swap3A_50] {strides = array<i32>} : memref<3x64x128xf32, #tpu.memory_space<vmem>>, vector<1x1x16xf32>,
      %swap3A_52 = vector.shape_cast %swap3A_51 : vector<1x1x16xf32> to vector<16xf32>
      %swap3A_53 = vector.shape_cast %broadcast_in_dim3A_42 : vector<16xf32> to vector<1x1x16xf32>
      tpu.vector_store %arg8[%swap3A_48, %swap3A_49, %swap3A_50], %swap3A_53 {strides = array<i32>} : memref<3x64x128xf32, #tpu.memory_space<vmem>>, vector<1x1x16xf32>,
    }
    %scan3A_7 = arith.constant 512 : i32
    %scan3A_8 = arith.constant 0 : i32
    %scan3A_9 = arith.constant 0 : i32
    %scan3A_10 = arith.constant 10 : i32
    %scan3A_11 = arith.addi %scan3A_9, %scan3A_10 : i32
    %scan3A_12 = arith.constant 1 : i32
    scf.for %scan3A_41 = %scan3A_9 to %scan3A_11 step %scan3A_12  : i32 {
      %mul3A_42 = arith.constant 64 : i32
      %mul3A_43 = arith.muli %scan3A_41, %mul3A_42 : i32
      %add3A_44 = arith.addi %mul3A_2, %mul3A_43 : i32
      %run_scoped3A = arith.constant 0 : i32
      "tpu.region"() ({
        %run_scoped3A_45 = tpu.sem_alloc : memref<!tpu.dma_semaphore, #tpu.memory_space<semaphore_mem>>
        %dma_start3A = arith.constant 0 : i32
        %dma_start3A_46 = arith.constant 0 : i32
        %dma_start3A_47 = tpu.memref_slice %arg8[%run_scoped3A, %dma_start3A, %dma_start3A_46] : memref<3x64x128xf32, #tpu.memory_space<vmem>> -> memref<1x64x128xf32, #tpu.memory_space<vmem>>
        %dma_start3A_48 = tpu.memref_squeeze %dma_start3A_47 : memref<1x64x128xf32, #tpu.memory_space<vmem>> -> memref<64x128xf32, #tpu.memory_space<vmem>>
        %dma_start3A_49 = arith.constant 0 : i32
        %dma_start3A_50 = tpu.memref_slice %arg9[%add3A_44, %dma_start3A_49] : memref<10240x128xf32, #tpu.memory_space<vmem_shared>> -> memref<64x128xf32, #tpu.memory_space<vmem_shared>>
        %dma_start3A_51 = arith.constant 0 : i32
        %dma_start3A_52 = tpu.memref_slice %arg9[%add3A_44, %dma_start3A_51] : memref<10240x128xf32, #tpu.memory_space<vmem_shared>> -> memref<64x128xf32, #tpu.memory_space<vmem_shared>>
        %dma_start3A_53 = arith.constant 0 : i32
        %dma_start3A_54 = arith.constant 0 : i32
        %dma_start3A_55 = tpu.memref_slice %arg8[%run_scoped3A, %dma_start3A_53, %dma_start3A_54] : memref<3x64x128xf32, #tpu.memory_space<vmem>> -> memref<1x64x128xf32, #tpu.memory_space<vmem>>
        %dma_start3A_56 = tpu.memref_squeeze %dma_start3A_55 : memref<1x64x128xf32, #tpu.memory_space<vmem>> -> memref<64x128xf32, #tpu.memory_space<vmem>>
        tpu.enqueue_dma source(%dma_start3A_56 : memref<64x128xf32, #tpu.memory_space<vmem>>) target(%dma_start3A_52 : memref<64x128xf32, #tpu.memory_space<vmem_shared>>) target_semaphore(%run_scoped3A_45 : memref<!tpu.dma_semaphore, #tpu.memory_space<semaphore_mem>>)
        %dma_wait3A_57 = arith.constant 0 : i32
        %dma_wait3A_58 = arith.constant 0 : i32
        %dma_wait3A_59 = tpu.memref_slice %arg8[%run_scoped3A, %dma_wait3A_57, %dma_wait3A_58] : memref<3x64x128xf32, #tpu.memory_space<vmem>> -> memref<1x64x128xf32, #tpu.memory_space<vmem>>
        %dma_wait3A_60 = tpu.memref_squeeze %dma_wait3A_59 : memref<1x64x128xf32, #tpu.memory_space<vmem>> -> memref<64x128xf32, #tpu.memory_space<vmem>>
        %dma_wait3A_61 = arith.constant 0 : i32
        %dma_wait3A_62 = tpu.memref_slice %arg9[%add3A_44, %dma_wait3A_61] : memref<10240x128xf32, #tpu.memory_space<vmem_shared>> -> memref<64x128xf32, #tpu.memory_space<vmem_shared>>
        %dma_wait3A_63 = arith.constant 0 : i32
        %dma_wait3A_64 = tpu.memref_slice %arg9[%add3A_44, %dma_wait3A_63] : memref<10240x128xf32, #tpu.memory_space<vmem_shared>> -> memref<64x128xf32, #tpu.memory_space<vmem_shared>>
        %dma_wait3A_65 = arith.constant 0 : i32
        %dma_wait3A_66 = arith.constant 0 : i32
        %dma_wait3A_67 = tpu.memref_slice %arg8[%run_scoped3A, %dma_wait3A_65, %dma_wait3A_66] : memref<3x64x128xf32, #tpu.memory_space<vmem>> -> memref<1x64x128xf32, #tpu.memory_space<vmem>>
        %dma_wait3A_68 = tpu.memref_squeeze %dma_wait3A_67 : memref<1x64x128xf32, #tpu.memory_space<vmem>> -> memref<64x128xf32, #tpu.memory_space<vmem>>
        tpu.wait_dma2 semaphore(%run_scoped3A_45 : memref<!tpu.dma_semaphore, #tpu.memory_space<semaphore_mem>>) src(%dma_wait3A_68 : memref<64x128xf32, #tpu.memory_space<vmem>>) dst(%dma_wait3A_64 : memref<64x128xf32, #tpu.memory_space<vmem_shared>>)
        tpu.yield
      }) : () -> ()
    }
    %scan3A_13 = arith.constant 10 : i32
    "tpu.region"() ({
      %run_scoped3A = tpu.sem_alloc : memref<!tpu.dma_semaphore, #tpu.memory_space<semaphore_mem>>
      %dma_start3A = arith.constant 0 : i32
      %dma_start3A_41 = arith.constant 0 : i32
      %dma_start3A_42 = tpu.memref_slice %arg3[%add3A, %dma_start3A, %dma_start3A_41] : memref<32x157x64xi32, #tpu.memory_space<hbm>> -> memref<1x157x64xi32, #tpu.memory_space<hbm>>
      %dma_start3A_43 = tpu.memref_squeeze %dma_start3A_42 : memref<1x157x64xi32, #tpu.memory_space<hbm>> -> memref<157x64xi32, #tpu.memory_space<hbm>>
      %dma_start3A_44 = arith.constant 0 : i32
      %dma_start3A_45 = arith.constant 0 : i32
      %dma_start3A_46 = tpu.memref_slice %arg3[%add3A, %dma_start3A_44, %dma_start3A_45] : memref<32x157x64xi32, #tpu.memory_space<hbm>> -> memref<1x157x64xi32, #tpu.memory_space<hbm>>
      %dma_start3A_47 = tpu.memref_squeeze %dma_start3A_46 : memref<1x157x64xi32, #tpu.memory_space<hbm>> -> memref<157x64xi32, #tpu.memory_space<hbm>>
      tpu.enqueue_dma source(%dma_start3A_47 : memref<157x64xi32, #tpu.memory_space<hbm>>) target(%arg6 : memref<157x64xi32, #tpu.memory_space<vmem>>) target_semaphore(%run_scoped3A : memref<!tpu.dma_semaphore, #tpu.memory_space<semaphore_mem>>)
      %dma_wait3A_48 = arith.constant 0 : i32
      %dma_wait3A_49 = arith.constant 0 : i32
      %dma_wait3A_50 = tpu.memref_slice %arg3[%add3A, %dma_wait3A_48, %dma_wait3A_49] : memref<32x157x64xi32, #tpu.memory_space<hbm>> -> memref<1x157x64xi32, #tpu.memory_space<hbm>>
      %dma_wait3A_51 = tpu.memref_squeeze %dma_wait3A_50 : memref<1x157x64xi32, #tpu.memory_space<hbm>> -> memref<157x64xi32, #tpu.memory_space<hbm>>
      %dma_wait3A_52 = arith.constant 0 : i32
      %dma_wait3A_53 = arith.constant 0 : i32
      %dma_wait3A_54 = tpu.memref_slice %arg3[%add3A, %dma_wait3A_52, %dma_wait3A_53] : memref<32x157x64xi32, #tpu.memory_space<hbm>> -> memref<1x157x64xi32, #tpu.memory_space<hbm>>
      %dma_wait3A_55 = tpu.memref_squeeze %dma_wait3A_54 : memref<1x157x64xi32, #tpu.memory_space<hbm>> -> memref<157x64xi32, #tpu.memory_space<hbm>>
      tpu.wait_dma2 semaphore(%run_scoped3A : memref<!tpu.dma_semaphore, #tpu.memory_space<semaphore_mem>>) src(%dma_wait3A_55 : memref<157x64xi32, #tpu.memory_space<hbm>>) dst(%arg6 : memref<157x64xi32, #tpu.memory_space<vmem>>)
      tpu.yield
    }) : () -> ()
    "tpu.region"() ({
      %run_scoped3A = tpu.sem_alloc : memref<!tpu.dma_semaphore, #tpu.memory_space<semaphore_mem>>
      %dma_start3A = arith.constant 0 : i32
      %dma_start3A_41 = arith.constant 0 : i32
      %dma_start3A_42 = tpu.memref_slice %arg4[%add3A, %dma_start3A, %dma_start3A_41] : memref<32x157x64xi32, #tpu.memory_space<hbm>> -> memref<1x157x64xi32, #tpu.memory_space<hbm>>
      %dma_start3A_43 = tpu.memref_squeeze %dma_start3A_42 : memref<1x157x64xi32, #tpu.memory_space<hbm>> -> memref<157x64xi32, #tpu.memory_space<hbm>>
      %dma_start3A_44 = arith.constant 0 : i32
      %dma_start3A_45 = arith.constant 0 : i32
      %dma_start3A_46 = tpu.memref_slice %arg4[%add3A, %dma_start3A_44, %dma_start3A_45] : memref<32x157x64xi32, #tpu.memory_space<hbm>> -> memref<1x157x64xi32, #tpu.memory_space<hbm>>
      %dma_start3A_47 = tpu.memref_squeeze %dma_start3A_46 : memref<1x157x64xi32, #tpu.memory_space<hbm>> -> memref<157x64xi32, #tpu.memory_space<hbm>>
      tpu.enqueue_dma source(%dma_start3A_47 : memref<157x64xi32, #tpu.memory_space<hbm>>) target(%arg7 : memref<157x64xi32, #tpu.memory_space<vmem>>) target_semaphore(%run_scoped3A : memref<!tpu.dma_semaphore, #tpu.memory_space<semaphore_mem>>)
      %dma_wait3A_48 = arith.constant 0 : i32
      %dma_wait3A_49 = arith.constant 0 : i32
      %dma_wait3A_50 = tpu.memref_slice %arg4[%add3A, %dma_wait3A_48, %dma_wait3A_49] : memref<32x157x64xi32, #tpu.memory_space<hbm>> -> memref<1x157x64xi32, #tpu.memory_space<hbm>>
      %dma_wait3A_51 = tpu.memref_squeeze %dma_wait3A_50 : memref<1x157x64xi32, #tpu.memory_space<hbm>> -> memref<157x64xi32, #tpu.memory_space<hbm>>
      %dma_wait3A_52 = arith.constant 0 : i32
      %dma_wait3A_53 = arith.constant 0 : i32
      %dma_wait3A_54 = tpu.memref_slice %arg4[%add3A, %dma_wait3A_52, %dma_wait3A_53] : memref<32x157x64xi32, #tpu.memory_space<hbm>> -> memref<1x157x64xi32, #tpu.memory_space<hbm>>
      %dma_wait3A_55 = tpu.memref_squeeze %dma_wait3A_54 : memref<1x157x64xi32, #tpu.memory_space<hbm>> -> memref<157x64xi32, #tpu.memory_space<hbm>>
      tpu.wait_dma2 semaphore(%run_scoped3A : memref<!tpu.dma_semaphore, #tpu.memory_space<semaphore_mem>>) src(%dma_wait3A_55 : memref<157x64xi32, #tpu.memory_space<hbm>>) dst(%arg7 : memref<157x64xi32, #tpu.memory_space<vmem>>)
      tpu.yield
    }) : () -> ()
    %barrier3A = arith.constant 0 : index
    tpu.barrier barrier_id(%barrier3A)
    %scan3A_14 = arith.constant 0 : i32
    %scan3A_15 = arith.constant 0 : i32
    %scan3A_16 = arith.constant 3 : i32
    %scan3A_17 = arith.addi %scan3A_15, %scan3A_16 : i32
    %scan3A_18 = arith.constant 1 : i32
    scf.for %scan3A_41 = %scan3A_15 to %scan3A_17 step %scan3A_18  : i32 {
      %rem3A_42 = arith.constant 3 : i32
      %rem3A_43 = arith.remsi %scan3A_41, %rem3A_42 : i32
      %dma_start3A = arith.constant 0 : i32
      %dma_start3A_44 = arith.constant 0 : i32
      %dma_start3A_45 = tpu.memref_slice %arg8[%rem3A_43, %dma_start3A, %dma_start3A_44] : memref<3x64x128xf32, #tpu.memory_space<vmem>> -> memref<1x64x128xf32, #tpu.memory_space<vmem>>
      %dma_start3A_46 = tpu.memref_squeeze %dma_start3A_45 : memref<1x64x128xf32, #tpu.memory_space<vmem>> -> memref<64x128xf32, #tpu.memory_space<vmem>>
      %dma_start3A_47 = arith.constant 0 : i32
      %dma_start3A_48 = tpu.memref_slice %arg6[%scan3A_41, %dma_start3A_47] : memref<157x64xi32, #tpu.memory_space<vmem>> -> memref<1x64xi32, #tpu.memory_space<vmem>>
      %dma_start3A_49 = tpu.memref_squeeze %dma_start3A_48 : memref<1x64xi32, #tpu.memory_space<vmem>> -> memref<64xi32, #tpu.memory_space<vmem>>
      %dma_start3A_50 = arith.constant 0 : i32
      %dma_start3A_51 = arith.constant 0 : i32
      %dma_start3A_52 = tpu.memref_slice %arg2[%dma_start3A_50, %dma_start3A_51] : memref<10240x128xf32, #tpu.memory_space<hbm>> -> memref<10240x128xf32, #tpu.memory_space<hbm>>
      %dma_start3A_53 = tpu.memref_slice %arg10[%rem3A_43] : memref<3x!tpu.dma_semaphore, #tpu.memory_space<semaphore_mem>> -> memref<1x!tpu.dma_semaphore, #tpu.memory_space<semaphore_mem>>
      %dma_start3A_54 = tpu.memref_squeeze %dma_start3A_53 : memref<1x!tpu.dma_semaphore, #tpu.memory_space<semaphore_mem>> -> memref<!tpu.dma_semaphore, #tpu.memory_space<semaphore_mem>>
      tpu.enqueue_indirect_dma source(%dma_start3A_52 : memref<10240x128xf32, #tpu.memory_space<hbm>>) target(%dma_start3A_46 : memref<64x128xf32, #tpu.memory_space<vmem>>) offsets(%dma_start3A_49 : memref<64xi32, #tpu.memory_space<vmem>>) semaphore(%dma_start3A_54 : memref<!tpu.dma_semaphore, #tpu.memory_space<semaphore_mem>>)
    }
    %scan3A_19 = arith.constant 3 : i32
    %scan3A_20 = arith.constant 0 : i32
    %scan3A_21 = arith.constant 0 : i32
    %scan3A_22 = arith.constant 157 : i32
    %scan3A_23 = arith.addi %scan3A_21, %scan3A_22 : i32
    %scan3A_24 = arith.constant 1 : i32
    scf.for %scan3A_41 = %scan3A_21 to %scan3A_23 step %scan3A_24  : i32 {
      %rem3A_42 = arith.constant 3 : i32
      %rem3A_43 = arith.remsi %scan3A_41, %rem3A_42 : i32
      %dma_wait3A_44 = arith.constant 0 : i32
      %dma_wait3A_45 = arith.constant 0 : i32
      %dma_wait3A_46 = tpu.memref_slice %arg8[%rem3A_43, %dma_wait3A_44, %dma_wait3A_45] : memref<3x64x128xf32, #tpu.memory_space<vmem>> -> memref<1x64x128xf32, #tpu.memory_space<vmem>>
      %dma_wait3A_47 = tpu.memref_squeeze %dma_wait3A_46 : memref<1x64x128xf32, #tpu.memory_space<vmem>> -> memref<64x128xf32, #tpu.memory_space<vmem>>
      %dma_wait3A_48 = arith.constant 0 : i32
      %dma_wait3A_49 = tpu.memref_slice %arg6[%scan3A_41, %dma_wait3A_48] : memref<157x64xi32, #tpu.memory_space<vmem>> -> memref<1x64xi32, #tpu.memory_space<vmem>>
      %dma_wait3A_50 = tpu.memref_squeeze %dma_wait3A_49 : memref<1x64xi32, #tpu.memory_space<vmem>> -> memref<64xi32, #tpu.memory_space<vmem>>
      %dma_wait3A_51 = arith.constant 0 : i32
      %dma_wait3A_52 = arith.constant 0 : i32
      %dma_wait3A_53 = tpu.memref_slice %arg2[%dma_wait3A_51, %dma_wait3A_52] : memref<10240x128xf32, #tpu.memory_space<hbm>> -> memref<10240x128xf32, #tpu.memory_space<hbm>>
      %dma_wait3A_54 = tpu.memref_slice %arg10[%rem3A_43] : memref<3x!tpu.dma_semaphore, #tpu.memory_space<semaphore_mem>> -> memref<1x!tpu.dma_semaphore, #tpu.memory_space<semaphore_mem>>
      %dma_wait3A_55 = tpu.memref_squeeze %dma_wait3A_54 : memref<1x!tpu.dma_semaphore, #tpu.memory_space<semaphore_mem>> -> memref<!tpu.dma_semaphore, #tpu.memory_space<semaphore_mem>>
      tpu.wait_indirect_dma semaphore(%dma_wait3A_55 : memref<!tpu.dma_semaphore, #tpu.memory_space<semaphore_mem>>) src(%dma_wait3A_53 : memref<10240x128xf32, #tpu.memory_space<hbm>>) dst(%dma_wait3A_47 : memref<64x128xf32, #tpu.memory_space<vmem>>)
      %rem3A_56 = arith.constant 3 : i32
      %rem3A_57 = arith.remsi %scan3A_41, %rem3A_56 : i32
      %dma_start3A = arith.constant 0 : i32
      %dma_start3A_58 = arith.constant 0 : i32
      %dma_start3A_59 = tpu.memref_slice %arg8[%rem3A_57, %dma_start3A, %dma_start3A_58] : memref<3x64x128xf32, #tpu.memory_space<vmem>> -> memref<1x64x128xf32, #tpu.memory_space<vmem>>
      %dma_start3A_60 = tpu.memref_squeeze %dma_start3A_59 : memref<1x64x128xf32, #tpu.memory_space<vmem>> -> memref<64x128xf32, #tpu.memory_space<vmem>>
      %dma_start3A_61 = arith.constant 0 : i32
      %dma_start3A_62 = tpu.memref_slice %arg7[%scan3A_41, %dma_start3A_61] : memref<157x64xi32, #tpu.memory_space<vmem>> -> memref<1x64xi32, #tpu.memory_space<vmem>>
      %dma_start3A_63 = tpu.memref_squeeze %dma_start3A_62 : memref<1x64xi32, #tpu.memory_space<vmem>> -> memref<64xi32, #tpu.memory_space<vmem>>
      %dma_start3A_64 = arith.constant 0 : i32
      %dma_start3A_65 = arith.constant 0 : i32
      %dma_start3A_66 = tpu.memref_slice %arg9[%dma_start3A_64, %dma_start3A_65] : memref<10240x128xf32, #tpu.memory_space<vmem_shared>> -> memref<10240x128xf32, #tpu.memory_space<vmem_shared>>
      %dma_start3A_67 = tpu.memref_slice %arg11[%rem3A_57] : memref<3x!tpu.dma_semaphore, #tpu.memory_space<semaphore_mem>> -> memref<1x!tpu.dma_semaphore, #tpu.memory_space<semaphore_mem>>
      %dma_start3A_68 = tpu.memref_squeeze %dma_start3A_67 : memref<1x!tpu.dma_semaphore, #tpu.memory_space<semaphore_mem>> -> memref<!tpu.dma_semaphore, #tpu.memory_space<semaphore_mem>>
      tpu.enqueue_indirect_dma source(%dma_start3A_60 : memref<64x128xf32, #tpu.memory_space<vmem>>) target(%dma_start3A_66 : memref<10240x128xf32, #tpu.memory_space<vmem_shared>>) offsets(%dma_start3A_63 : memref<64xi32, #tpu.memory_space<vmem>>) semaphore(%dma_start3A_68 : memref<!tpu.dma_semaphore, #tpu.memory_space<semaphore_mem>>) {add = true}
      %ge3A = arith.constant 1 : i32
      %ge3A_69 = arith.cmpi sge, %scan3A_41, %ge3A : i32
      %convert_element_type3A = arith.extui %ge3A_69 : i1 to i32
      %cond3A = arith.constant 0 : i32
      %cond3A_70 = arith.cmpi ne, %convert_element_type3A, %cond3A : i32
      scf.if %cond3A_70 {
        %sub3A = arith.constant 1 : i32
        %sub3A_71 = arith.subi %scan3A_41, %sub3A : i32
        %rem3A_72 = arith.constant 3 : i32
        %rem3A_73 = arith.remsi %sub3A_71, %rem3A_72 : i32
        %dma_wait3A_74 = arith.constant 0 : i32
        %dma_wait3A_75 = arith.constant 0 : i32
        %dma_wait3A_76 = tpu.memref_slice %arg8[%rem3A_73, %dma_wait3A_74, %dma_wait3A_75] : memref<3x64x128xf32, #tpu.memory_space<vmem>> -> memref<1x64x128xf32, #tpu.memory_space<vmem>>
        %dma_wait3A_77 = tpu.memref_squeeze %dma_wait3A_76 : memref<1x64x128xf32, #tpu.memory_space<vmem>> -> memref<64x128xf32, #tpu.memory_space<vmem>>
        %dma_wait3A_78 = arith.constant 0 : i32
        %dma_wait3A_79 = tpu.memref_slice %arg7[%sub3A_71, %dma_wait3A_78] : memref<157x64xi32, #tpu.memory_space<vmem>> -> memref<1x64xi32, #tpu.memory_space<vmem>>
        %dma_wait3A_80 = tpu.memref_squeeze %dma_wait3A_79 : memref<1x64xi32, #tpu.memory_space<vmem>> -> memref<64xi32, #tpu.memory_space<vmem>>
        %dma_wait3A_81 = arith.constant 0 : i32
        %dma_wait3A_82 = arith.constant 0 : i32
        %dma_wait3A_83 = tpu.memref_slice %arg9[%dma_wait3A_81, %dma_wait3A_82] : memref<10240x128xf32, #tpu.memory_space<vmem_shared>> -> memref<10240x128xf32, #tpu.memory_space<vmem_shared>>
        %dma_wait3A_84 = tpu.memref_slice %arg11[%rem3A_73] : memref<3x!tpu.dma_semaphore, #tpu.memory_space<semaphore_mem>> -> memref<1x!tpu.dma_semaphore, #tpu.memory_space<semaphore_mem>>
        %dma_wait3A_85 = tpu.memref_squeeze %dma_wait3A_84 : memref<1x!tpu.dma_semaphore, #tpu.memory_space<semaphore_mem>> -> memref<!tpu.dma_semaphore, #tpu.memory_space<semaphore_mem>>
        tpu.wait_indirect_dma semaphore(%dma_wait3A_85 : memref<!tpu.dma_semaphore, #tpu.memory_space<semaphore_mem>>) src(%dma_wait3A_77 : memref<64x128xf32, #tpu.memory_space<vmem>>) dst(%dma_wait3A_83 : memref<10240x128xf32, #tpu.memory_space<vmem_shared>>)
        %sub3A_86 = arith.constant 1 : i32
        %sub3A_87 = arith.subi %scan3A_41, %sub3A_86 : i32
        %add3A_88 = arith.constant 3 : i32
        %add3A_89 = arith.addi %sub3A_87, %add3A_88 : i32
        %lt3A = arith.constant 157 : i32
        %lt3A_90 = arith.cmpi slt, %add3A_89, %lt3A : i32
        %convert_element_type3A_91 = arith.extui %lt3A_90 : i1 to i32
        %cond3A_92 = arith.constant 0 : i32
        %cond3A_93 = arith.cmpi ne, %convert_element_type3A_91, %cond3A_92 : i32
        scf.if %cond3A_93 {
          %sub3A_94 = arith.constant 1 : i32
          %sub3A_95 = arith.subi %scan3A_41, %sub3A_94 : i32
          %add3A_96 = arith.constant 3 : i32
          %add3A_97 = arith.addi %sub3A_95, %add3A_96 : i32
          %rem3A_98 = arith.constant 3 : i32
          %rem3A_99 = arith.remsi %add3A_97, %rem3A_98 : i32
          %dma_start3A_100 = arith.constant 0 : i32
          %dma_start3A_101 = arith.constant 0 : i32
          %dma_start3A_102 = tpu.memref_slice %arg8[%rem3A_99, %dma_start3A_100, %dma_start3A_101] : memref<3x64x128xf32, #tpu.memory_space<vmem>> -> memref<1x64x128xf32, #tpu.memory_space<vmem>>
          %dma_start3A_103 = tpu.memref_squeeze %dma_start3A_102 : memref<1x64x128xf32, #tpu.memory_space<vmem>> -> memref<64x128xf32, #tpu.memory_space<vmem>>
          %dma_start3A_104 = arith.constant 0 : i32
          %dma_start3A_105 = tpu.memref_slice %arg6[%add3A_97, %dma_start3A_104] : memref<157x64xi32, #tpu.memory_space<vmem>> -> memref<1x64xi32, #tpu.memory_space<vmem>>
          %dma_start3A_106 = tpu.memref_squeeze %dma_start3A_105 : memref<1x64xi32, #tpu.memory_space<vmem>> -> memref<64xi32, #tpu.memory_space<vmem>>
          %dma_start3A_107 = arith.constant 0 : i32
          %dma_start3A_108 = arith.constant 0 : i32
          %dma_start3A_109 = tpu.memref_slice %arg2[%dma_start3A_107, %dma_start3A_108] : memref<10240x128xf32, #tpu.memory_space<hbm>> -> memref<10240x128xf32, #tpu.memory_space<hbm>>
          %dma_start3A_110 = tpu.memref_slice %arg10[%rem3A_99] : memref<3x!tpu.dma_semaphore, #tpu.memory_space<semaphore_mem>> -> memref<1x!tpu.dma_semaphore, #tpu.memory_space<semaphore_mem>>
          %dma_start3A_111 = tpu.memref_squeeze %dma_start3A_110 : memref<1x!tpu.dma_semaphore, #tpu.memory_space<semaphore_mem>> -> memref<!tpu.dma_semaphore, #tpu.memory_space<semaphore_mem>>
          tpu.enqueue_indirect_dma source(%dma_start3A_109 : memref<10240x128xf32, #tpu.memory_space<hbm>>) target(%dma_start3A_103 : memref<64x128xf32, #tpu.memory_space<vmem>>) offsets(%dma_start3A_106 : memref<64xi32, #tpu.memory_space<vmem>>) semaphore(%dma_start3A_111 : memref<!tpu.dma_semaphore, #tpu.memory_space<semaphore_mem>>)
        } else {
        }
      } else {
      }
    }
    %scan3A_25 = arith.constant 157 : i32
    %rem3A = arith.constant 156 : i32
    %rem3A_26 = arith.constant 3 : i32
    %rem3A_27 = arith.remsi %rem3A, %rem3A_26 : i32
    %dma_wait3A = arith.constant 156 : i32
    %dma_wait3A_28 = arith.constant 0 : i32
    %dma_wait3A_29 = arith.constant 0 : i32
    %dma_wait3A_30 = tpu.memref_slice %arg8[%rem3A_27, %dma_wait3A_28, %dma_wait3A_29] : memref<3x64x128xf32, #tpu.memory_space<vmem>> -> memref<1x64x128xf32, #tpu.memory_space<vmem>>
    %dma_wait3A_31 = tpu.memref_squeeze %dma_wait3A_30 : memref<1x64x128xf32, #tpu.memory_space<vmem>> -> memref<64x128xf32, #tpu.memory_space<vmem>>
    %dma_wait3A_32 = arith.constant 0 : i32
    %dma_wait3A_33 = tpu.memref_slice %arg7[%dma_wait3A, %dma_wait3A_32] : memref<157x64xi32, #tpu.memory_space<vmem>> -> memref<1x64xi32, #tpu.memory_space<vmem>>
    %dma_wait3A_34 = tpu.memref_squeeze %dma_wait3A_33 : memref<1x64xi32, #tpu.memory_space<vmem>> -> memref<64xi32, #tpu.memory_space<vmem>>
    %dma_wait3A_35 = arith.constant 0 : i32
    %dma_wait3A_36 = arith.constant 0 : i32
    %dma_wait3A_37 = tpu.memref_slice %arg9[%dma_wait3A_35, %dma_wait3A_36] : memref<10240x128xf32, #tpu.memory_space<vmem_shared>> -> memref<10240x128xf32, #tpu.memory_space<vmem_shared>>
    %dma_wait3A_38 = tpu.memref_slice %arg11[%rem3A_27] : memref<3x!tpu.dma_semaphore, #tpu.memory_space<semaphore_mem>> -> memref<1x!tpu.dma_semaphore, #tpu.memory_space<semaphore_mem>>
    %dma_wait3A_39 = tpu.memref_squeeze %dma_wait3A_38 : memref<1x!tpu.dma_semaphore, #tpu.memory_space<semaphore_mem>> -> memref<!tpu.dma_semaphore, #tpu.memory_space<semaphore_mem>>
    tpu.wait_indirect_dma semaphore(%dma_wait3A_39 : memref<!tpu.dma_semaphore, #tpu.memory_space<semaphore_mem>>) src(%dma_wait3A_31 : memref<64x128xf32, #tpu.memory_space<vmem>>) dst(%dma_wait3A_37 : memref<10240x128xf32, #tpu.memory_space<vmem_shared>>)
    %barrier3A_40 = arith.constant 0 : index
    tpu.barrier barrier_id(%barrier3A_40)
    "tpu.region"() ({
      %run_scoped3A = tpu.sem_alloc : memref<!tpu.dma_semaphore, #tpu.memory_space<semaphore_mem>>
      %dma_start3A = arith.constant 0 : i32
      %dma_start3A_41 = tpu.memref_slice %arg5[%arg0, %mul3A_2, %dma_start3A] : memref<2x10240x128xf32, #tpu.memory_space<hbm>> -> memref<1x640x128xf32, #tpu.memory_space<hbm>>
      %dma_start3A_42 = tpu.memref_squeeze %dma_start3A_41 : memref<1x640x128xf32, #tpu.memory_space<hbm>> -> memref<640x128xf32, #tpu.memory_space<hbm>>
      %dma_start3A_43 = arith.constant 0 : i32
      %dma_start3A_44 = tpu.memref_slice %arg9[%mul3A_2, %dma_start3A_43] : memref<10240x128xf32, #tpu.memory_space<vmem_shared>> -> memref<640x128xf32, #tpu.memory_space<vmem_shared>>
      tpu.enqueue_dma source(%dma_start3A_44 : memref<640x128xf32, #tpu.memory_space<vmem_shared>>) target(%dma_start3A_42 : memref<640x128xf32, #tpu.memory_space<hbm>>) target_semaphore(%run_scoped3A : memref<!tpu.dma_semaphore, #tpu.memory_space<semaphore_mem>>)
      %dma_wait3A_45 = arith.constant 0 : i32
      %dma_wait3A_46 = tpu.memref_slice %arg5[%arg0, %mul3A_2, %dma_wait3A_45] : memref<2x10240x128xf32, #tpu.memory_space<hbm>> -> memref<1x640x128xf32, #tpu.memory_space<hbm>>
      %dma_wait3A_47 = tpu.memref_squeeze %dma_wait3A_46 : memref<1x640x128xf32, #tpu.memory_space<hbm>> -> memref<640x128xf32, #tpu.memory_space<hbm>>
      %dma_wait3A_48 = arith.constant 0 : i32
      %dma_wait3A_49 = tpu.memref_slice %arg9[%mul3A_2, %dma_wait3A_48] : memref<10240x128xf32, #tpu.memory_space<vmem_shared>> -> memref<640x128xf32, #tpu.memory_space<vmem_shared>>
      tpu.wait_dma2 semaphore(%run_scoped3A : memref<!tpu.dma_semaphore, #tpu.memory_space<semaphore_mem>>) src(%dma_wait3A_49 : memref<640x128xf32, #tpu.memory_space<vmem_shared>>) dst(%dma_wait3A_47 : memref<640x128xf32, #tpu.memory_space<hbm>>)
      tpu.yield
    }) : () -> ()
    return
  }
}

module attributes {stable_mosaic.version = 14 : i64} {
  func.func @_mm1_body(%arg0: i32, %arg1: memref<2560x128xf32, #tpu.memory_space<vmem>>, %arg2: memref<128x128xf32, #tpu.memory_space<vmem>>, %arg3: memref<2560x1xf32, #tpu.memory_space<vmem>>, %arg4: memref<2560x1xf32, #tpu.memory_space<vmem>>, %arg5: memref<2560x128xf32, #tpu.memory_space<vmem>>) attributes {dimension_semantics = [#tpu.dimension_semantics<arbitrary>], iteration_bounds = array<i64: 4>, scalar_prefetch = 0 : i64, scratch_operands = 0 : i64, tpu.core_type = #tpu.core_type<tc>, window_params = [{transform_indices = @transform_0, window_bounds = array<i64: 2560, 128>}, {pipeline_mode = #tpu.pipeline_mode<synchronous>, transform_indices = @transform_1, window_bounds = array<i64: 128, 128>}, {transform_indices = @transform_2, window_bounds = array<i64: 2560, 1>}, {transform_indices = @transform_3, window_bounds = array<i64: 2560, 1>}, {transform_indices = @transform_4, window_bounds = array<i64: 2560, 128>}]} {
    %get3A = arith.constant 0 : index
    %get3A_0 = arith.constant 0 : index
    %get3A_1 = vector.load %arg3[%get3A, %get3A_0] : memref<2560x1xf32, #tpu.memory_space<vmem>>, vector<2560x1xf32>
    %get3A_2 = arith.constant 0 : index
    %get3A_3 = arith.constant 0 : index
    %get3A_4 = vector.load %arg4[%get3A_2, %get3A_3] : memref<2560x1xf32, #tpu.memory_space<vmem>>, vector<2560x1xf32>
    %add3A = arith.addf %get3A_1, %get3A_4 : vector<2560x1xf32>
    %gt3A = arith.constant 0.000000e+00 : f32
    %gt3A_5 = vector.broadcast %gt3A : f32 to vector<2560x1xf32>
    %gt3A_6 = arith.cmpf ogt, %add3A, %gt3A_5 : vector<2560x1xf32>
    %max3A = arith.constant 1.000000e+00 : f32
    %max3A_7 = vector.broadcast %max3A : f32 to vector<2560x1xf32>
    %max3A_8 = arith.maximumf %add3A, %max3A_7 : vector<2560x1xf32>
    %rsqrt3A = math.rsqrt %max3A_8 : vector<2560x1xf32>
    %jit3A = arith.constant 0.000000e+00 : f32
    %broadcast_in_dim3A = vector.broadcast %jit3A : f32 to vector<2560x1xf32>
    %select_n3A = arith.select %gt3A_6, %rsqrt3A, %broadcast_in_dim3A : vector<2560x1xi1>, vector<2560x1xf32>
    %get3A_9 = arith.constant 0 : index
    %get3A_10 = arith.constant 0 : index
    %get3A_11 = vector.load %arg1[%get3A_9, %get3A_10] : memref<2560x128xf32, #tpu.memory_space<vmem>>, vector<2560x128xf32>
    %get3A_12 = arith.constant 0 : index
    %get3A_13 = arith.constant 0 : index
    %get3A_14 = vector.load %arg2[%get3A_12, %get3A_13] : memref<128x128xf32, #tpu.memory_space<vmem>>, vector<128x128xf32>
    %dot_general3A = arith.constant dense<0.000000e+00> : vector<2560x128xf32>
    %dot_general3A_15 = tpu.matmul %get3A_11, %get3A_14, %dot_general3A {dimension_numbers = #tpu.dot_dimension_numbers<[1], [0], [0], [1], [0, 0, 1, 1], [], []>, transpose_lhs_hint = false} : vector<2560x128xf32>, vector<128x128xf32>, vector<2560x128xf32> -> vector<2560x128xf32>
    %mul3A = vector.broadcast %select_n3A : vector<2560x1xf32> to vector<2560x128xf32>
    %mul3A_16 = arith.mulf %dot_general3A_15, %mul3A : vector<2560x128xf32>
    %swap3A = arith.constant 0 : index
    %swap3A_17 = arith.constant 0 : index
    %swap3A_18 = vector.load %arg5[%swap3A, %swap3A_17] : memref<2560x128xf32, #tpu.memory_space<vmem>>, vector<2560x128xf32>
    tpu.vector_store %arg5[%swap3A, %swap3A_17], %mul3A_16 {strides = array<i32>} : memref<2560x128xf32, #tpu.memory_space<vmem>>, vector<2560x128xf32>,
    return
  }
  func.func @transform_0(%arg0: i32) -> (i32, i32) {
    %c0_i32 = arith.constant 0 : i32
    %c0_i32_0 = arith.constant 0 : i32
    return %arg0, %c0_i32 : i32, i32
  }
  func.func @transform_1(%arg0: i32) -> (i32, i32) {
    %c0_i32 = arith.constant 0 : i32
    %c0_i32_0 = arith.constant 0 : i32
    %c0_i32_1 = arith.constant 0 : i32
    return %c0_i32, %c0_i32_0 : i32, i32
  }
  func.func @transform_2(%arg0: i32) -> (i32, i32) {
    %c0_i32 = arith.constant 0 : i32
    %c0_i32_0 = arith.constant 0 : i32
    return %arg0, %c0_i32 : i32, i32
  }
  func.func @transform_3(%arg0: i32) -> (i32, i32) {
    %c0_i32 = arith.constant 0 : i32
    %c0_i32_0 = arith.constant 0 : i32
    return %arg0, %c0_i32 : i32, i32
  }
  func.func @transform_4(%arg0: i32) -> (i32, i32) {
    %c0_i32 = arith.constant 0 : i32
    %c0_i32_0 = arith.constant 0 : i32
    return %arg0, %c0_i32 : i32, i32
  }
}

module attributes {stable_mosaic.version = 14 : i64} {
  func.func @_l2_body(%arg0: i32, %arg1: memref<2x2560x128xf32, #tpu.memory_space<vmem>>, %arg2: memref<2560x1xf32, #tpu.memory_space<vmem>>, %arg3: memref<2560x1xf32, #tpu.memory_space<vmem>>, %arg4: memref<2560x1xf32, #tpu.memory_space<vmem>>, %arg5: memref<2560x1xf32, #tpu.memory_space<vmem>>, %arg6: memref<1x128xf32, #tpu.memory_space<vmem>>, %arg7: memref<128x64xf32, #tpu.memory_space<vmem>>, %arg8: memref<2560x64xf32, #tpu.memory_space<vmem>>) attributes {dimension_semantics = [#tpu.dimension_semantics<arbitrary>], iteration_bounds = array<i64: 4>, scalar_prefetch = 0 : i64, scratch_operands = 0 : i64, tpu.core_type = #tpu.core_type<tc>, window_params = [{transform_indices = @transform_0, window_bounds = array<i64: 2, 2560, 128>}, {transform_indices = @transform_1, window_bounds = array<i64: 2560, 1>}, {transform_indices = @transform_2, window_bounds = array<i64: 2560, 1>}, {transform_indices = @transform_3, window_bounds = array<i64: 2560, 1>}, {transform_indices = @transform_4, window_bounds = array<i64: 2560, 1>}, {pipeline_mode = #tpu.pipeline_mode<synchronous>, transform_indices = @transform_5, window_bounds = array<i64: 1, 128>}, {pipeline_mode = #tpu.pipeline_mode<synchronous>, transform_indices = @transform_6, window_bounds = array<i64: 128, 64>}, {transform_indices = @transform_7, window_bounds = array<i64: 2560, 64>}]} {
    %get3A = arith.constant 0 : index
    %get3A_0 = arith.constant 0 : index
    %get3A_1 = vector.load %arg2[%get3A, %get3A_0] : memref<2560x1xf32, #tpu.memory_space<vmem>>, vector<2560x1xf32>
    %get3A_2 = arith.constant 0 : index
    %get3A_3 = arith.constant 0 : index
    %get3A_4 = vector.load %arg3[%get3A_2, %get3A_3] : memref<2560x1xf32, #tpu.memory_space<vmem>>, vector<2560x1xf32>
    %add3A = arith.addf %get3A_1, %get3A_4 : vector<2560x1xf32>
    %gt3A = arith.constant 0.000000e+00 : f32
    %gt3A_5 = vector.broadcast %gt3A : f32 to vector<2560x1xf32>
    %gt3A_6 = arith.cmpf ogt, %add3A, %gt3A_5 : vector<2560x1xf32>
    %max3A = arith.constant 1.000000e+00 : f32
    %max3A_7 = vector.broadcast %max3A : f32 to vector<2560x1xf32>
    %max3A_8 = arith.maximumf %add3A, %max3A_7 : vector<2560x1xf32>
    %rsqrt3A = math.rsqrt %max3A_8 : vector<2560x1xf32>
    %jit3A = arith.constant 0.000000e+00 : f32
    %broadcast_in_dim3A = vector.broadcast %jit3A : f32 to vector<2560x1xf32>
    %select_n3A = arith.select %gt3A_6, %rsqrt3A, %broadcast_in_dim3A : vector<2560x1xi1>, vector<2560x1xf32>
    %get3A_9 = arith.constant 0 : index
    %get3A_10 = arith.constant 0 : index
    %get3A_11 = arith.constant 0 : index
    %get3A_12 = vector.load %arg1[%get3A_9, %get3A_10, %get3A_11] : memref<2x2560x128xf32, #tpu.memory_space<vmem>>, vector<1x2560x128xf32>
    %get3A_13 = vector.shape_cast %get3A_12 : vector<1x2560x128xf32> to vector<2560x128xf32>
    %get3A_14 = arith.constant 1 : index
    %get3A_15 = arith.constant 0 : index
    %get3A_16 = arith.constant 0 : index
    %get3A_17 = vector.load %arg1[%get3A_14, %get3A_15, %get3A_16] : memref<2x2560x128xf32, #tpu.memory_space<vmem>>, vector<1x2560x128xf32>
    %get3A_18 = vector.shape_cast %get3A_17 : vector<1x2560x128xf32> to vector<2560x128xf32>
    %add3A_19 = arith.addf %get3A_13, %get3A_18 : vector<2560x128xf32>
    %mul3A = vector.broadcast %select_n3A : vector<2560x1xf32> to vector<2560x128xf32>
    %mul3A_20 = arith.mulf %add3A_19, %mul3A : vector<2560x128xf32>
    %get3A_21 = arith.constant 0 : index
    %get3A_22 = arith.constant 0 : index
    %get3A_23 = vector.load %arg6[%get3A_21, %get3A_22] : memref<1x128xf32, #tpu.memory_space<vmem>>, vector<1x128xf32>
    %add3A_24 = vector.broadcast %get3A_23 : vector<1x128xf32> to vector<2560x128xf32>
    %add3A_25 = arith.addf %mul3A_20, %add3A_24 : vector<2560x128xf32>
    %max3A_26 = arith.constant 0.000000e+00 : f32
    %max3A_27 = vector.broadcast %max3A_26 : f32 to vector<2560x128xf32>
    %max3A_28 = arith.maximumf %add3A_25, %max3A_27 : vector<2560x128xf32>
    %get3A_29 = arith.constant 0 : index
    %get3A_30 = arith.constant 0 : index
    %get3A_31 = vector.load %arg4[%get3A_29, %get3A_30] : memref<2560x1xf32, #tpu.memory_space<vmem>>, vector<2560x1xf32>
    %get3A_32 = arith.constant 0 : index
    %get3A_33 = arith.constant 0 : index
    %get3A_34 = vector.load %arg5[%get3A_32, %get3A_33] : memref<2560x1xf32, #tpu.memory_space<vmem>>, vector<2560x1xf32>
    %add3A_35 = arith.addf %get3A_31, %get3A_34 : vector<2560x1xf32>
    %gt3A_36 = arith.constant 0.000000e+00 : f32
    %gt3A_37 = vector.broadcast %gt3A_36 : f32 to vector<2560x1xf32>
    %gt3A_38 = arith.cmpf ogt, %add3A_35, %gt3A_37 : vector<2560x1xf32>
    %max3A_39 = arith.constant 1.000000e+00 : f32
    %max3A_40 = vector.broadcast %max3A_39 : f32 to vector<2560x1xf32>
    %max3A_41 = arith.maximumf %add3A_35, %max3A_40 : vector<2560x1xf32>
    %rsqrt3A_42 = math.rsqrt %max3A_41 : vector<2560x1xf32>
    %jit3A_43 = arith.constant 0.000000e+00 : f32
    %broadcast_in_dim3A_44 = vector.broadcast %jit3A_43 : f32 to vector<2560x1xf32>
    %select_n3A_45 = arith.select %gt3A_38, %rsqrt3A_42, %broadcast_in_dim3A_44 : vector<2560x1xi1>, vector<2560x1xf32>
    %get3A_46 = arith.constant 0 : index
    %get3A_47 = arith.constant 0 : index
    %get3A_48 = vector.load %arg7[%get3A_46, %get3A_47] : memref<128x64xf32, #tpu.memory_space<vmem>>, vector<128x64xf32>
    %dot_general3A = arith.constant dense<0.000000e+00> : vector<2560x64xf32>
    %dot_general3A_49 = tpu.matmul %max3A_28, %get3A_48, %dot_general3A {dimension_numbers = #tpu.dot_dimension_numbers<[1], [0], [0], [1], [0, 0, 1, 1], [], []>, transpose_lhs_hint = false} : vector<2560x128xf32>, vector<128x64xf32>, vector<2560x64xf32> -> vector<2560x64xf32>
    %mul3A_50 = vector.broadcast %select_n3A_45 : vector<2560x1xf32> to vector<2560x64xf32>
    %mul3A_51 = arith.mulf %dot_general3A_49, %mul3A_50 : vector<2560x64xf32>
    %swap3A = arith.constant 0 : index
    %swap3A_52 = arith.constant 0 : index
    %swap3A_53 = vector.load %arg8[%swap3A, %swap3A_52] : memref<2560x64xf32, #tpu.memory_space<vmem>>, vector<2560x64xf32>
    tpu.vector_store %arg8[%swap3A, %swap3A_52], %mul3A_51 {strides = array<i32>} : memref<2560x64xf32, #tpu.memory_space<vmem>>, vector<2560x64xf32>,
    return
  }
  func.func @transform_0(%arg0: i32) -> (i32, i32, i32) {
    %c0_i32 = arith.constant 0 : i32
    %c0_i32_0 = arith.constant 0 : i32
    %c0_i32_1 = arith.constant 0 : i32
    return %c0_i32, %arg0, %c0_i32_0 : i32, i32, i32
  }
  func.func @transform_1(%arg0: i32) -> (i32, i32) {
    %c0_i32 = arith.constant 0 : i32
    %c0_i32_0 = arith.constant 0 : i32
    return %arg0, %c0_i32 : i32, i32
  }
  func.func @transform_2(%arg0: i32) -> (i32, i32) {
    %c0_i32 = arith.constant 0 : i32
    %c0_i32_0 = arith.constant 0 : i32
    return %arg0, %c0_i32 : i32, i32
  }
  func.func @transform_3(%arg0: i32) -> (i32, i32) {
    %c0_i32 = arith.constant 0 : i32
    %c0_i32_0 = arith.constant 0 : i32
    return %arg0, %c0_i32 : i32, i32
  }
  func.func @transform_4(%arg0: i32) -> (i32, i32) {
    %c0_i32 = arith.constant 0 : i32
    %c0_i32_0 = arith.constant 0 : i32
    return %arg0, %c0_i32 : i32, i32
  }
  func.func @transform_5(%arg0: i32) -> (i32, i32) {
    %c0_i32 = arith.constant 0 : i32
    %c0_i32_0 = arith.constant 0 : i32
    %c0_i32_1 = arith.constant 0 : i32
    return %c0_i32, %c0_i32_0 : i32, i32
  }
  func.func @transform_6(%arg0: i32) -> (i32, i32) {
    %c0_i32 = arith.constant 0 : i32
    %c0_i32_0 = arith.constant 0 : i32
    %c0_i32_1 = arith.constant 0 : i32
    return %c0_i32, %c0_i32_0 : i32, i32
  }
  func.func @transform_7(%arg0: i32) -> (i32, i32) {
    %c0_i32 = arith.constant 0 : i32
    %c0_i32_0 = arith.constant 0 : i32
    return %arg0, %c0_i32 : i32, i32
  }
}

module attributes {stable_mosaic.version = 14 : i64} {
  func.func @_fin_body(%arg0: i32, %arg1: memref<2x2000x64xf32, #tpu.memory_space<vmem>>, %arg2: memref<2000x1xf32, #tpu.memory_space<vmem>>, %arg3: memref<2000x1xf32, #tpu.memory_space<vmem>>, %arg4: memref<1x64xf32, #tpu.memory_space<vmem>>, %arg5: memref<2000x64xf32, #tpu.memory_space<vmem>>) attributes {dimension_semantics = [#tpu.dimension_semantics<arbitrary>], iteration_bounds = array<i64: 5>, scalar_prefetch = 0 : i64, scratch_operands = 0 : i64, tpu.core_type = #tpu.core_type<tc>, window_params = [{transform_indices = @transform_0, window_bounds = array<i64: 2, 2000, 64>}, {transform_indices = @transform_1, window_bounds = array<i64: 2000, 1>}, {transform_indices = @transform_2, window_bounds = array<i64: 2000, 1>}, {pipeline_mode = #tpu.pipeline_mode<synchronous>, transform_indices = @transform_3, window_bounds = array<i64: 1, 64>}, {transform_indices = @transform_4, window_bounds = array<i64: 2000, 64>}]} {
    %get3A = arith.constant 0 : index
    %get3A_0 = arith.constant 0 : index
    %get3A_1 = vector.load %arg2[%get3A, %get3A_0] : memref<2000x1xf32, #tpu.memory_space<vmem>>, vector<2000x1xf32>
    %get3A_2 = arith.constant 0 : index
    %get3A_3 = arith.constant 0 : index
    %get3A_4 = vector.load %arg3[%get3A_2, %get3A_3] : memref<2000x1xf32, #tpu.memory_space<vmem>>, vector<2000x1xf32>
    %add3A = arith.addf %get3A_1, %get3A_4 : vector<2000x1xf32>
    %gt3A = arith.constant 0.000000e+00 : f32
    %gt3A_5 = vector.broadcast %gt3A : f32 to vector<2000x1xf32>
    %gt3A_6 = arith.cmpf ogt, %add3A, %gt3A_5 : vector<2000x1xf32>
    %max3A = arith.constant 1.000000e+00 : f32
    %max3A_7 = vector.broadcast %max3A : f32 to vector<2000x1xf32>
    %max3A_8 = arith.maximumf %add3A, %max3A_7 : vector<2000x1xf32>
    %rsqrt3A = math.rsqrt %max3A_8 : vector<2000x1xf32>
    %jit3A = arith.constant 0.000000e+00 : f32
    %broadcast_in_dim3A = vector.broadcast %jit3A : f32 to vector<2000x1xf32>
    %select_n3A = arith.select %gt3A_6, %rsqrt3A, %broadcast_in_dim3A : vector<2000x1xi1>, vector<2000x1xf32>
    %get3A_9 = arith.constant 0 : index
    %get3A_10 = arith.constant 0 : index
    %get3A_11 = arith.constant 0 : index
    %get3A_12 = vector.load %arg1[%get3A_9, %get3A_10, %get3A_11] : memref<2x2000x64xf32, #tpu.memory_space<vmem>>, vector<1x2000x64xf32>
    %get3A_13 = vector.shape_cast %get3A_12 : vector<1x2000x64xf32> to vector<2000x64xf32>
    %get3A_14 = arith.constant 1 : index
    %get3A_15 = arith.constant 0 : index
    %get3A_16 = arith.constant 0 : index
    %get3A_17 = vector.load %arg1[%get3A_14, %get3A_15, %get3A_16] : memref<2x2000x64xf32, #tpu.memory_space<vmem>>, vector<1x2000x64xf32>
    %get3A_18 = vector.shape_cast %get3A_17 : vector<1x2000x64xf32> to vector<2000x64xf32>
    %add3A_19 = arith.addf %get3A_13, %get3A_18 : vector<2000x64xf32>
    %mul3A = vector.broadcast %select_n3A : vector<2000x1xf32> to vector<2000x64xf32>
    %mul3A_20 = arith.mulf %add3A_19, %mul3A : vector<2000x64xf32>
    %get3A_21 = arith.constant 0 : index
    %get3A_22 = arith.constant 0 : index
    %get3A_23 = vector.load %arg4[%get3A_21, %get3A_22] : memref<1x64xf32, #tpu.memory_space<vmem>>, vector<1x64xf32>
    %add3A_24 = vector.broadcast %get3A_23 : vector<1x64xf32> to vector<2000x64xf32>
    %add3A_25 = arith.addf %mul3A_20, %add3A_24 : vector<2000x64xf32>
    %reduce_max3A = arith.constant dense<0xFF800000> : vector<2000xf32>
    %reduce_max3A_26 = vector.multi_reduction <maximumf>, %add3A_25, %reduce_max3A [1] : vector<2000x64xf32> to vector<2000xf32>
    %broadcast_in_dim3A_27 = vector.shape_cast %reduce_max3A_26 : vector<2000xf32> to vector<2000x1xf32>
    %sub3A = vector.broadcast %broadcast_in_dim3A_27 : vector<2000x1xf32> to vector<2000x64xf32>
    %sub3A_28 = arith.subf %add3A_25, %sub3A : vector<2000x64xf32>
    %exp3A = math.exp %sub3A_28 : vector<2000x64xf32>
    %sub3A_29 = vector.broadcast %broadcast_in_dim3A_27 : vector<2000x1xf32> to vector<2000x64xf32>
    %sub3A_30 = arith.subf %add3A_25, %sub3A_29 : vector<2000x64xf32>
    %reduce_sum3A = arith.constant dense<0.000000e+00> : vector<2000xf32>
    %reduce_sum3A_31 = vector.multi_reduction <add>, %exp3A, %reduce_sum3A [1] : vector<2000x64xf32> to vector<2000xf32>
    %broadcast_in_dim3A_32 = vector.shape_cast %reduce_sum3A_31 : vector<2000xf32> to vector<2000x1xf32>
    %log3A = math.log %broadcast_in_dim3A_32 : vector<2000x1xf32>
    %sub3A_33 = vector.broadcast %log3A : vector<2000x1xf32> to vector<2000x64xf32>
    %sub3A_34 = arith.subf %sub3A_30, %sub3A_33 : vector<2000x64xf32>
    %swap3A = arith.constant 0 : index
    %swap3A_35 = arith.constant 0 : index
    %swap3A_36 = vector.load %arg5[%swap3A, %swap3A_35] : memref<2000x64xf32, #tpu.memory_space<vmem>>, vector<2000x64xf32>
    tpu.vector_store %arg5[%swap3A, %swap3A_35], %sub3A_34 {strides = array<i32>} : memref<2000x64xf32, #tpu.memory_space<vmem>>, vector<2000x64xf32>,
    return
  }
  func.func @transform_0(%arg0: i32) -> (i32, i32, i32) {
    %c0_i32 = arith.constant 0 : i32
    %c0_i32_0 = arith.constant 0 : i32
    %c0_i32_1 = arith.constant 0 : i32
    return %c0_i32, %arg0, %c0_i32_0 : i32, i32, i32
  }
  func.func @transform_1(%arg0: i32) -> (i32, i32) {
    %c0_i32 = arith.constant 0 : i32
    %c0_i32_0 = arith.constant 0 : i32
    return %arg0, %c0_i32 : i32, i32
  }
  func.func @transform_2(%arg0: i32) -> (i32, i32) {
    %c0_i32 = arith.constant 0 : i32
    %c0_i32_0 = arith.constant 0 : i32
    return %arg0, %c0_i32 : i32, i32
  }
  func.func @transform_3(%arg0: i32) -> (i32, i32) {
    %c0_i32 = arith.constant 0 : i32
    %c0_i32_0 = arith.constant 0 : i32
    %c0_i32_1 = arith.constant 0 : i32
    return %c0_i32, %c0_i32_0 : i32, i32
  }
  func.func @transform_4(%arg0: i32) -> (i32, i32) {
    %c0_i32 = arith.constant 0 : i32
    %c0_i32_0 = arith.constant 0 : i32
    return %arg0, %c0_i32 : i32, i32
  }
}

</mosaic_0001>

<sc_bundles>
// kernel: kernel.11.cloned.1.call-start
scs
__scs_entry_jumppad:
0x0: {  	(pc) =	sbr.rel $0x88, $3  }
0x1: {  	(tag) =	ssettag $0x0;
	lr =	simm.s32 $0x1  }
0x2: {  	[smem:$0x3F9B] =	sst lr;
	_ =	strace $0xD0000000  }
0x3: {  	_ = 	snop  }
0x4: {  	_ = 	snop  }
0x5: {  	_ = 	snop  }
0x6: {  	_ = 	snop  }
0x7: {  	_ = 	snop  }
__scs_overlays_trampoline_lowered:
0x8: {  	[smem:$0x3FAA] =	sst s0  }
0x9: {  	[smem:$0x3FAB] =	sst s1  }
0xa: {  	[smem:$0x3FAC] =	sst s2  }
0xb: {  	[smem:$0x3FAD] =	sst s3  }
0xc: {  	[smem:$0x3FAE] =	sst s4  }
0xd: {  	[smem:$0x3FAF] =	sst s5  }
0xe: {  	[smem:$0x3FB0] =	sst s6  }
0xf: {  	[smem:$0x3FB1] =	sst s7  }
0x10: {  	[smem:$0x3FB2] =	sst s8  }
0x11: {  	[smem:$0x3FB3] =	sst s9;
	s0 =	simm.s32 @!p0 $0x0  }
0x12: {  	s1 =	sld [smem:$0x3F99];
	s0 =	simm.s32 @p0 $0x1  }
0x13: {  	[smem:$0x3FB4] =	sst s0;
	s0 =	simm.s32 @!p1 $0x0  }
0x14: {  	s2 =	sld [smem:$0x3F98];
	s0 =	simm.s32 @p1 $0x1  }
0x15: {  	[smem:$0x3FB5] =	sst s0;
	s0 =	simm.s32 @!p2 $0x0  }
0x16: {  	s3 =	sld [smem:$0x3FDB];
	s0 =	simm.s32 @p2 $0x1  }
0x17: {  	s4 =	simm.s32 $0x1BF5;
	[smem:$0x3FB7] =	sst s0  }
0x18: {  	s0 =	sld [smem:$0x3F9A];
	_ =	swait.ge [sflag:s4], $0x0  }
0x19: {  	s7 =	sld [smem:$0x3F9B]  }
0x1a: {  	s8 =	sadd.s32 $0xFFFFE003, lr  }
0x1b: {  	s9 =	sadd.s32 $0xFFFFFEF7, lr;
	s5 =	simm.s32 $0xFFFFFFFF;
	p2 =	slt.u32 s8, $0xFFFFF086  }
0x1c: {  	p1 =	slt.u32 s9, $0xF7A;
	s5 =	simm.s32 @!p2 $0x0  }
0x1d: {  	s5 =	simm.s32 @p1 $0x1;
	p0 =	seq.s32 s7, s2  }
0x1e: {  	s7 =	smul.u32 @!p0 $0xF7A, s2;
	p2 =	seq.s32 @!p0 s5, $0x0  }
0x1f: {  	s9 =	smul.u32 $0xF7A, s1;
	s8 =	simm.s32 @!p0 $0x1BF5;
	p2 =	por !p2, p0  }
0x20: {  	[sflag:s8] =	ssyncset.s32 @!p0 $0xFFFFF086;
	s6 =	sadd.s32 @!p0 s3, s7;
	s7 =	simm.s32 @!p0 $0x108  }
0x21: {  	s3 =	sadd.s32 s3, s9;
	s6 =	sadd.s32 @!p0 $0x88, s6;
	s7 =	simm.s32 @p2 $0x1082  }
0x22: {  	[simem:s7], [sflag:s8] =	dma.local @!p0 [hbm:s6], $0xF7A  }
0x23: {  	s9 =	sor.u32 $0xD0000000, s2;
	s6 =	simm.s32 $0x108;
	_ =	swait.ge @!p0 [sflag:s8], $0x0  }
0x24: {  	s3 =	sadd.s32 $0x88, s3;
	s6 =	simm.s32 @!p1 $0x1082;
	[sflag:s4] =	ssyncset.s32 $0xFFFFF086  }
0x25: {  	[simem:s6], [sflag:s4] =	dma.local [hbm:s3], $0xF7A  }
0x26: {  	[smem:$0x3F9B] =	sst s1;
	(tag) =	ssettag s2;
	_ =	strace s9  }
0x27: {  	s1 =	sld [smem:$0x3FAB]  }
0x28: {  	s2 =	sld [smem:$0x3FAC]  }
0x29: {  	s4 =	sld [smem:$0x3FAE]  }
0x2a: {  	p0 =	seq.s32 s5, $0x0;
	s5 =	sld [smem:$0x3FAF]  }
0x2b: {  	s6 =	sld [smem:$0x3FB0]  }
0x2c: {  	s7 =	sld [smem:$0x3FB1]  }
0x2d: {  	s3 =	simm.s32 $0x108;
	s8 =	sld [smem:$0x3FB2]  }
0x2e: {  	s3 =	simm.s32 @!p0 $0x1082;
	s9 =	sld [smem:$0x3FB3]  }
0x2f: {  	lr =	sadd.s32 s0, s3;
	s0 =	sld [smem:$0x3FAA]  }
0x30: {  	s3 =	sld [smem:$0x3FAD]  }
0x31: {  	[smem:$0x3FB6] =	sst s10  }
0x32: {  	s10 =	sld [smem:$0x3FB4];
	_ =	sdelay $0x3  }
0x33: {  	p0 =	seq.s32 s10, $0x1;
	s10 =	sld [smem:$0x3FB6];
	_ =	sdelay $0x3  }
0x34: {  	[smem:$0x3FB6] =	sst s10  }
0x35: {  	s10 =	sld [smem:$0x3FB5];
	_ =	sdelay $0x3  }
0x36: {  	p1 =	seq.s32 s10, $0x1;
	s10 =	sld [smem:$0x3FB6];
	_ =	sdelay $0x3  }
0x37: {  	[smem:$0x3FB6] =	sst s10  }
0x38: {  	s10 =	sld [smem:$0x3FB7]  }
0x39: {  	_ = 	snop;
	(pc) =	sbr.ind lr, $3  }
0x3a: {  	_ = 	snop  }
0x3b: {  	_ = 	snop  }
0x3c: {  	p2 =	seq.s32 s10, $0x1;
	s10 =	sld [smem:$0x3FB6]  }
0x3d: {  	_ =	shalt  }
0x3e: {  	_ =	shalt  }
0x3f: {  	_ =	shalt  }
0x40: {  	_ =	shalt  }
0x41: {  	_ =	shalt  }
0x42: {  	_ =	shalt  }
0x43: {  	_ =	shalt  }
0x44: {  	_ =	shalt  }
0x45: {  	_ =	shalt  }
0x46: {  	_ =	shalt  }
0x47: {  	_ =	shalt  }
0x48: {  	_ =	shalt  }
0x49: {  	_ =	shalt  }
0x4a: {  	_ =	shalt  }
0x4b: {  	_ =	shalt  }
0x4c: {  	_ =	shalt  }
0x4d: {  	_ =	shalt  }
0x4e: {  	_ =	shalt  }
0x4f: {  	_ =	shalt  }
0x50: {  	_ =	shalt  }
0x51: {  	_ =	shalt  }
0x52: {  	_ =	shalt  }
0x53: {  	_ =	shalt  }
0x54: {  	_ =	shalt  }
0x55: {  	_ =	shalt  }
0x56: {  	_ =	shalt  }
0x57: {  	_ =	shalt  }
0x58: {  	_ =	shalt  }
0x59: {  	_ =	shalt  }
0x5a: {  	_ =	shalt  }
0x5b: {  	_ =	shalt  }
0x5c: {  	_ =	shalt  }
0x5d: {  	_ =	shalt  }
0x5e: {  	_ =	shalt  }
0x5f: {  	_ =	shalt  }
0x60: {  	_ =	shalt  }
0x61: {  	_ =	shalt  }
0x62: {  	_ =	shalt  }
0x63: {  	_ =	shalt  }
0x64: {  	_ =	shalt  }
0x65: {  	_ =	shalt  }
0x66: {  	_ =	shalt  }
0x67: {  	_ =	shalt  }
0x68: {  	_ =	shalt  }
0x69: {  	_ =	shalt  }
0x6a: {  	_ =	shalt  }
0x6b: {  	_ =	shalt  }
0x6c: {  	_ =	shalt  }
0x6d: {  	_ =	shalt  }
0x6e: {  	_ =	shalt  }
0x6f: {  	_ =	shalt  }
0x70: {  	_ =	shalt  }
0x71: {  	_ =	shalt  }
0x72: {  	_ =	shalt  }
0x73: {  	_ =	shalt  }
0x74: {  	_ =	shalt  }
0x75: {  	_ =	shalt  }
0x76: {  	_ =	shalt  }
0x77: {  	_ =	shalt  }
0x78: {  	_ =	shalt  }
0x79: {  	_ =	shalt  }
0x7a: {  	_ =	shalt  }
0x7b: {  	_ =	shalt  }
0x7c: {  	_ =	shalt  }
0x7d: {  	_ =	shalt  }
0x7e: {  	_ =	shalt  }
0x7f: {  	_ =	shalt  }
0x80: {  	_ =	shalt  }
0x81: {  	_ =	shalt  }
0x82: {  	_ =	shalt  }
0x83: {  	_ =	shalt  }
0x84: {  	_ =	shalt  }
0x85: {  	_ =	shalt  }
0x86: {  	_ =	shalt  }
0x87: {  	_ =	shalt  }
.Lfunc_end0:
.L_simem_size_0:
called_computation.1_lowered:
.L_overlay_start_0:
0x88: {  	s2 =	sld [smem:$0x3FD9]  }
0x89: {  	s3 =	sld [smem:$0x3FFE];
	_ =	sdelay $0x1  }
0x8a: {  	s1 =	srdreg.scid  }
0x8b: {  	s0 =	sand.u32 $0x1, s1  }
0x8c: {  	s17 =	sshll.u32 s0, $0xA;
	s2 =	sadd.s32 s3, s2  }
0x8d: {  	s2 =	sadd.s32 s2, s17  }
0x8e: {  	[smem:$0x3FC2] =	sst s2  }
0x8f: {  	_ = 	snop  }
0x90: {  	s2 =	sld [smem:$0x3FD0];
	(tm) =	ssettm $0x1  }
0x91: {  	s18 =	sld [smem:$0x3FFB];
	_ =	sdelay $0x3  }
0x92: {  	_ =	strace s18  }
0x93: {  	s3 =	sld [smem:$0x3FFC];
	_ =	sdelay $0x3  }
0x94: {  	_ =	strace s3  }
0x95: {  	s3 =	sld [smem:$0x3FFD];
	_ =	sdelay $0x3  }
0x96: {  	_ =	strace s3  }
0x97: {  	_ =	strace $0x8FFFFFFF  }
0x98: {  	s19 =	sld [smem:$0x3FDB];
	_ =	sdelay $0x1  }
0x99: {  	s4 =	simm.s32 $_scs_section_size  }
0x9a: {  	s5 =	simm.s32 $_size__tile_overlayer_lowered;
	s6 =	simm.s32 $_tile_overlayer_lowered  }
0x9b: {  	s22 =	simm.s32 $0x1BFF;
	s21 =	sshll.u32 s6, $0x1;
	s3 =	sadd.s32 s4, s19  }
0x9c: {  	s7 =	simm.s32 $0x0;
	s20 =	sshll.u32 s5, $0x1;
	s5 =	sadd.s32 s21, s3  }
0x9d: {  	[timem:s7], [sflag:s22] =	dma.local [hbm:s5], s20  }
0x9e: {  	_ =	swait.ge [sflag:s22], s20  }
0x9f: {  	s4 =	ssub.s32 $0x0, s20;
	[sflag:s22] =	ssyncset.done $0x0  }
0xa0: {  	[sflag:s22] =	ssyncadd.s32 s4;
	_ =	sdelay $0x1  }
0xa1: {  	s23 =	simm.s32 $0x1B8B  }
0xa2: {  	_ =	swait.ge [sflag:s23], $0x1  }
0xa3: {  	[sflag:s23] =	ssyncset.done $0x0  }
0xa4: {  	s25 =	simm.s32 $0x1B8E;
	s24 =	sld [smem:$0x3FFE];
	[sflag:s23] =	ssyncadd.s32 $0xFFFFFFFF  }
0xa5: {  	s26 =	simm.s32 $execute0_lowered;
	[smem:$0x3FD2] =	sst s25  }
0xa6: {  	s5 =	sshll.u32 s26, $0x1;
	_ =	strace $0x80000049;
	[dreg:$0x1] =	wrdreg $0xFFFFFFFF  }
0xa7: {  	s28 =	simm.s32 $_size_execute0_lowered;
	s3 =	sadd.s32 s3, s5;
	[dreg:$0x0] =	wrdreg $0x0  }
0xa8: {  	s5 =	sshll.u32 s28, $0x1;
	[dreg:$0x2] =	wrdreg s3  }
0xa9: {  	[dreg:$0x3] =	wrdreg s5  }
0xaa: {  	[dreg:$0x4] =	wrdreg $0xC0  }
0xab: {  	_ =	task [dreg:s7], $0x5FFFF  }
0xac: {  	[dreg:$0x1] =	wrdreg $0xFFFFFFFF  }
0xad: {  	[dreg:$0x0] =	wrdreg $0x60  }
0xae: {  	[dreg:$0x2] =	wrdreg s24  }
0xaf: {  	[dreg:$0x3] =	wrdreg s2  }
0xb0: {  	[dreg:$0x4] =	wrdreg $0xAE800  }
0xb1: {  	[dreg:$0x5] =	wrdreg $0x9  }
0xb2: {  	_ =	task.clear_ibuf [dreg:s7], $0x6FFFF;
	_ =	strace $0x90000049  }
0xb3: {  	s29 =	simm.s32 $0x9;
	_ =	strace $0x8000004B  }
0xb4: {  	_ =	swait.ge [sflag:s29], $0x1  }
0xb5: {  	[sflag:s29] =	ssyncadd.s32 $0xFFFFFFFF  }
0xb6: {  	_ =	strace $0x9000004B  }
0xb7: {  	_ =	sfence  }
0xb8: {  	s30 =	sld [smem:$0x0];
	_ =	sdelay $0x2  }
0xb9: {  	s31 =	sshll.u32 s1, $0xD;
	s1 =	sshrl.u32 s1, $0x2  }
0xba: {  	s3 =	sand.u32 $0x4000, s31;
	s1 =	sadd.s32 s1, s30  }
0xbb: {  	s0 =	sor.u32 s3, s0;
	s1 =	sshll.u32 s1, $0x11  }
0xbc: {  	s0 =	sor.u32 s1, s0  }
0xbd: {  	s0 =	sadd.s32 $0x8F2B, s0  }
0xbe: {  	[sflag:s0] =	ssyncadd.remote.s32 $0x1  }
0xbf: {  	_ =	sfence.sel $0xFFFF  }
0xc0: {  	[dreg:$0x0] =	wrdreg $0xFFFFFFFF;
	(pc) =	sbr.abs _section_cstart, $3  }
0xc1: {  	[dreg:$0x1] =	wrdreg $0xFFFFFFFF  }
0xc2: {  	_ =	task.clear_ibuf [dreg:s7], $0x2FFFF;
	_ =	strace $0x9FFFFFFF  }
0xc3: {  	(tm) =	ssettm $0x7FFFFFFF  }
tec
execute0_lowered:
.L_overlay_start_1:
0x0: {  	(tag) =	ssettag $0x1  }
0x1: {  	s0 =	rddreg [dreg:$0x0]  }
0x2: {  	s2 =	rddreg [dreg:$0x1]  }
0x3: {  	s1 =	rddreg [dreg:$0x2]  }
0x4: {  	s3 =	srdreg.scid;
	s6 =	simm.s32 $0x0;
	s7 =	stileid.u32  }
0x5: {  	s19 =	simm.s32 $0x4E80;
	s20 =	simm.s32 $0x7;
	s21 =	simm.s32 $0x40  }
0x6: {  	s24 =	simm.s32 $0x4;
	s26 =	simm.s32 $0x0;
	s3 =	sand.u32 $0x1, s3  }
0x7: {  	[smem:$0x7FF] =	sst s6;
	s9 =	smul.u32 $0x14000, s7;
	s4 =	sshll.u32 s3, $0x4  }
0x8: {  	s5 =	smul.u32 $0x140000, s3;
	_ =	strace $0x8000004A;
	s3 =	ssub.s32 $0x2, s3  }
0x9: {  	s4 =	sor.u32 s7, s4;
	s7 =	smul.u32 $0x50000, s7;
	s29 =	sshrl.u32 s3, $0x1  }
0xa: {  	s31 =	sadd.s32 s9, s1;
	s28 =	smul.u32 $0x4E8, s4;
	s4 =	sadd.s32 $0x47C00, s0  }
0xb: {  	s5 =	sadd.s32 s9, s5;
	s3 =	ssub.s32 s3, s29;
	s25 =	sshrl.u32 s31, $0x3  }
0xc: {  	s5 =	sshrl.u32 s5, $0x3;
	s7 =	sshrl.u32 s7, $0x2;
	s9 =	smax.u32 s3, $0x1  }
0xd: {  	s8 =	sadd.s32 s28, s0;
	s0 =	sadd.s32 s5, s0;
	s2 =	sadd.s32 s2, s28  }
0xe: {  	s5 =	sadd.s32 s7, s1;
	[dreg:$0x4] =	wrdreg s2;
	s30 =	sadd.s32 $0x15E00, s8  }
0xf: {  	s0 =	sadd.s32 $0x6FC00, s0;
	s10 =	sadd.s32 $0x2000, s5;
	s11 =	sadd.s32 $0x4000, s5  }
0x10: {  	s12 =	sadd.s32 $0x6000, s5;
	s13 =	sadd.s32 $0x8000, s5;
	s14 =	sadd.s32 $0xA000, s5  }
0x11: {  	s15 =	sadd.s32 $0xC000, s5;
	s16 =	sadd.s32 $0xE000, s5;
	[dreg:$0x5] =	wrdreg s30  }
0x12: {  	v0 =	vimm.f32 $0.0e+00;
	s17 =	sadd.s32 $0x10000, s5;
	s18 =	sadd.s32 $0x12000, s5;
	[dreg:$0x6] =	wrdreg s0  }
.LBB2_1:
0x13: {  	s0 =	simm.s32 $0x0  }
0x14: {  	s2 =	sand.u32 $0x7FC0, s0  }
0x15: {  	s0 =	simm.s32 $0x40;
	s2 =	sshrl.u32 s2, $0x2  }
.LBB2_2:
0x16: {  	p0 =	sne.s32 s0, $0x7FC0;
	[tilespmem:s2+$0x4E80] =	vst v0;
	s2 =	smov.u32 s0;
	s0 =	sadd.s32 $0x40, s0  }
.Ltmp0:
0x17: {  	(pc) =	sbr.rel @p0 .LBB2_2-.Ltmp0, $3  }
0x18: {  	_ =	sdelay $0x1  }
0x19: {  	s2 =	sand.u32 $0x7FC0, s2  }
0x1a: {  	s2 =	sshrl.u32 s2, $0x2  }
0x1b: {  	[tilespmem:s2+$0x4E80] =	vst v0  }
0x1c: {  	[spmem:s5] =	stream.linear.scatter [tilespmem:s19], [sflag:$0x7], $0x2000, $0x38;
	[tilespmem:$0x1EE80] =	vst v63  }
0x1d: {  	_ =	swait.ge [sflag:s20], $0x2000  }
0x1e: {  	[sflag:s20] =	ssyncset.done $0x0  }
0x1f: {  	[sflag:s20] =	ssyncadd.s32 $0xFFFFE000  }
0x20: {  	[spmem:s10] =	stream.linear.scatter [tilespmem:s19], [sflag:$0x7], $0x2000, $0x38;
	[tilespmem:$0x1EE80] =	vst v63  }
0x21: {  	_ =	swait.ge [sflag:s20], $0x2000  }
0x22: {  	[sflag:s20] =	ssyncset.done $0x0  }
0x23: {  	[sflag:s20] =	ssyncadd.s32 $0xFFFFE000  }
0x24: {  	[spmem:s11] =	stream.linear.scatter [tilespmem:s19], [sflag:$0x7], $0x2000, $0x38;
	[tilespmem:$0x1EE80] =	vst v63  }
0x25: {  	_ =	swait.ge [sflag:s20], $0x2000  }
0x26: {  	[sflag:s20] =	ssyncset.done $0x0  }
0x27: {  	[sflag:s20] =	ssyncadd.s32 $0xFFFFE000  }
0x28: {  	[spmem:s12] =	stream.linear.scatter [tilespmem:s19], [sflag:$0x7], $0x2000, $0x38;
	[tilespmem:$0x1EE80] =	vst v63  }
0x29: {  	_ =	swait.ge [sflag:s20], $0x2000  }
0x2a: {  	[sflag:s20] =	ssyncset.done $0x0  }
0x2b: {  	[sflag:s20] =	ssyncadd.s32 $0xFFFFE000  }
0x2c: {  	[spmem:s13] =	stream.linear.scatter [tilespmem:s19], [sflag:$0x7], $0x2000, $0x38;
	[tilespmem:$0x1EE80] =	vst v63  }
0x2d: {  	_ =	swait.ge [sflag:s20], $0x2000  }
0x2e: {  	[sflag:s20] =	ssyncset.done $0x0  }
0x2f: {  	[sflag:s20] =	ssyncadd.s32 $0xFFFFE000  }
0x30: {  	[spmem:s14] =	stream.linear.scatter [tilespmem:s19], [sflag:$0x7], $0x2000, $0x38;
	[tilespmem:$0x1EE80] =	vst v63  }
0x31: {  	_ =	swait.ge [sflag:s20], $0x2000  }
0x32: {  	[sflag:s20] =	ssyncset.done $0x0  }
0x33: {  	[sflag:s20] =	ssyncadd.s32 $0xFFFFE000  }
0x34: {  	[spmem:s15] =	stream.linear.scatter [tilespmem:s19], [sflag:$0x7], $0x2000, $0x38;
	[tilespmem:$0x1EE80] =	vst v63  }
0x35: {  	_ =	swait.ge [sflag:s20], $0x2000  }
0x36: {  	[sflag:s20] =	ssyncset.done $0x0  }
0x37: {  	[sflag:s20] =	ssyncadd.s32 $0xFFFFE000  }
0x38: {  	[spmem:s16] =	stream.linear.scatter [tilespmem:s19], [sflag:$0x7], $0x2000, $0x38;
	[tilespmem:$0x1EE80] =	vst v63  }
0x39: {  	_ =	swait.ge [sflag:s20], $0x2000  }
0x3a: {  	[sflag:s20] =	ssyncset.done $0x0  }
0x3b: {  	[sflag:s20] =	ssyncadd.s32 $0xFFFFE000  }
0x3c: {  	[spmem:s17] =	stream.linear.scatter [tilespmem:s19], [sflag:$0x7], $0x2000, $0x38;
	[tilespmem:$0x1EE80] =	vst v63  }
0x3d: {  	_ =	swait.ge [sflag:s20], $0x2000  }
0x3e: {  	[sflag:s20] =	ssyncset.done $0x0  }
0x3f: {  	[sflag:s20] =	ssyncadd.s32 $0xFFFFE000  }
0x40: {  	[spmem:s18] =	stream.linear.scatter [tilespmem:s19], [sflag:$0x7], $0x2000, $0x38;
	[tilespmem:$0x1EE80] =	vst v63  }
0x41: {  	_ =	swait.ge [sflag:s20], $0x2000  }
0x42: {  	[sflag:s20] =	ssyncset.done $0x0  }
0x43: {  	s0 =	simm.s32 $0x0;
	s7 =	rddreg [dreg:$0x4];
	[sflag:s20] =	ssyncadd.s32 $0xFFFFE000  }
0x44: {  	[tilespmem:s0], [sflag:$0x7] =	stream.linear.gather [hbm4b:s7+s0], $0x2740, $0x38;
	[tilespmem:$0x1EE80] =	vst v63  }
0x45: {  	_ =	swait.ge [sflag:s20], $0x2740  }
0x46: {  	[sflag:s20] =	ssyncset.done $0x0  }
0x47: {  	s8 =	simm.s32 $0x2740;
	s3 =	rddreg [dreg:$0x5];
	[sflag:s20] =	ssyncadd.s32 $0xFFFFD8C0  }
0x48: {  	[tilespmem:s8], [sflag:$0x7] =	stream.linear.gather [hbm4b:s3+s0], $0x2740, $0x38;
	[tilespmem:$0x1EE80] =	vst v63  }
0x49: {  	_ =	swait.ge [sflag:s20], $0x2740  }
0x4a: {  	[sflag:s20] =	ssyncset.done $0x0  }
0x4b: {  	s22 =	simm.s32 $0x6E80;
	p0 =	por $0x1, $0x1;
	[sflag:s20] =	ssyncadd.s32 $0xFFFFD8C0  }
0x4c: {  	p1 =	por @!p0 $0x0, $0x0;
	s3 =	simm.s32 @!p0 $0xFFFFFFFF;
	[bflag:$0x0] =	sbarrier.arrive $0xFFFF  }
0x4d: {  	[tilespmem:s19], [sflag:$0x1] =	stream.indirect.gather [hbm4b:s4+s21], $0x80, s0, s21, $0xb8;
	[tilespmem:$0x1EE80] =	vst v63  }
0x4e: {  	p1 =	por p1, p0;
	s3 =	sand.u32 @!p0 $0xFF, s3;
	s0 =	smul.u32 $0xAB, s0  }
0x4f: {  	[tilespmem:s22], [sflag:$0x2] =	stream.indirect.gather [hbm4b:s4+s21], $0x80, s21, s21, $0xb8;
	[tilespmem:$0x1EE80] =	vst v63  }
0x50: {  	s3 =	smul.u32 @!p0 $0xAB, s3;
	s0 =	sshrl.u32 s0, $0x9;
	s22 =	simm.s32 @!p1 $0x2  }
0x51: {  	s28 =	simm.s32 $0x80;
	s0 =	sand.u32 $0x7F, s0;
	s22 =	smul.u32 @!p1 $0xAB, s22  }
0x52: {  	s23 =	simm.s32 $0x8E80;
	s3 =	sshrl.u32 @!p0 s3, $0x9;
	s0 =	smul.u32 $0x3, s0  }
0x53: {  	[tilespmem:s23], [sflag:$0x3] =	stream.indirect.gather [hbm4b:s4+s21], $0x80, s28, s21, $0xb8;
	[tilespmem:$0x1EE80] =	vst v63  }
0x54: {  	s3 =	smul.u32 @!p0 $0x3, s3;
	s22 =	sshrl.u32 @!p1 s22, $0x9;
	s0 =	ssub.s32 $0x0, s0  }
0x55: {  	s29 =	simm.s32 $0x1;
	s22 =	sand.u32 @!p1 $0x7F, s22;
	s0 =	sand.u32 $0xFF, s0  }
0x56: {  	s3 =	ssub.s32 @!p0 $0xFFFFFFFF, s3;
	s22 =	smul.u32 @!p1 $0x3, s22;
	s30 =	sadd.s32 $0x1, s0  }
0x57: {  	s3 =	sor.u32 @!p0 $0x4, s3;
	s31 =	sshll.u32 s0, $0xD;
	_ =	swait.ge [sflag:s30], $0x2000  }
0x58: {  	s0 =	sor.u32 $0x4, s0;
	s22 =	ssub.s32 @!p1 $0x2, s22;
	[sflag:s30] =	ssyncset.done $0x0  }
0x59: {  	s31 =	sadd.s32 $0x4E80, s31;
	s2 =	sand.u32 @!p1 $0xFF, s22;
	[sflag:s30] =	ssyncadd.s32 $0xFFFFE000  }
0x5a: {  	[spmem:s1] =	stream.indirect.scatter.add.f32 [tilespmem:s31], [sflag:s0], $0x80, s8, s21, $0xb8;
	[tilespmem:$0x1EE80] =	vst v63  }
0x5b: {  	s30 =	simm.s32 $0x2780;
	s22 =	sshll.u32 @!p1 s2, $0xD;
	s0 =	sand.u32 @!p0 $0xFF, s3  }
0x5c: {  	s31 =	simm.s32 $0xC0;
	s3 =	sadd.s32 @!p1 $0x1, s2;
	s2 =	simm.s32 @!p1 $0x40  }
.LBB2_4:
0x5d: {  	_ =	swait.ge @!p0 [sflag:s0], $0x2000;
	s22 =	sadd.s32 @!p1 $0x4E80, s22  }
0x5e: {  	s23 =	smov.u32 s29;
	s29 =	sadd.s32 $0x1, s29;
	s6 =	smov.u32 s30  }
0x5f: {  	p2 =	sne.s32 s29, $0x9D;
	[sflag:s0] =	ssyncset.done @!p0 $0x0  }
0x60: {  	s7 =	smul.u32 $0xAB, s23;
	[sflag:s0] =	ssyncadd.s32 @!p0 $0xFFFFE000  }
0x61: {  	[tilespmem:s22], [sflag:s3] =	stream.indirect.gather @!p1 [hbm4b:s4+s2], $0x80, s28, s2, $0xb8;
	[tilespmem:$0x1EE80] =	vst v63  }
0x62: {  	p0 =	seq.s32 s23, $0x0;
	s0 =	sshrl.u32 s7, $0x9;
	s28 =	smov.u32 s31  }
0x63: {  	s2 =	sadd.s32 @!p0 $0xFFFFFFFF, s23;
	p1 =	sgt.u32 @!p0 s23, $0x9A;
	s0 =	sand.u32 $0x7F, s0  }
0x64: {  	s3 =	sand.u32 @!p0 $0xFF, s2;
	p1 =	por p1, p0;
	s0 =	smul.u32 $0x3, s0  }
0x65: {  	s3 =	smul.u32 @!p0 $0xAB, s3;
	s7 =	sadd.s32 @!p1 $0x2, s23  }
0x66: {  	s22 =	smul.u32 @!p1 $0xAB, s7;
	s0 =	ssub.s32 s23, s0  }
0x67: {  	s30 =	sadd.s32 $0x40, s30;
	s23 =	sand.u32 $0xFF, s0;
	s0 =	sshrl.u32 @!p0 s3, $0x9  }
0x68: {  	s22 =	sshrl.u32 @!p1 s22, $0x9;
	s3 =	sadd.s32 $0x1, s23;
	s0 =	smul.u32 @!p0 $0x3, s0  }
0x69: {  	s8 =	sshll.u32 s23, $0xD;
	s22 =	sand.u32 @!p1 $0x7F, s22;
	_ =	swait.ge [sflag:s3], $0x2000  }
0x6a: {  	s0 =	ssub.s32 @!p0 s2, s0;
	s2 =	smul.u32 @!p1 $0x3, s22;
	[sflag:s3] =	ssyncset.done $0x0  }
.Ltmp1:
0x6b: {  	s0 =	sor.u32 @!p0 $0x4, s0;
	[sflag:s3] =	ssyncadd.s32 $0xFFFFE000;
	(pc) =	sbr.rel @p2 .LBB2_4-.Ltmp1, $4  }
0x6c: {  	s31 =	sadd.s32 $0x40, s31;
	s0 =	sand.u32 @!p0 $0xFF, s0;
	s2 =	ssub.s32 @!p1 s7, s2  }
0x6d: {  	s7 =	sadd.s32 $0x4E80, s8;
	s8 =	sor.u32 $0x4, s23;
	s2 =	sand.u32 @!p1 $0xFF, s2  }
0x6e: {  	s22 =	sshll.u32 @!p1 s2, $0xD;
	s3 =	sadd.s32 @!p1 $0x1, s2;
	s2 =	simm.s32 @!p1 $0x40  }
0x6f: {  	[spmem:s1] =	stream.indirect.scatter.add.f32 [tilespmem:s7], [sflag:s8], $0x80, s6, s21, $0xb8;
	[tilespmem:$0x1EE80] =	vst v63  }
0x70: {  	_ =	swait.ge @!p0 [sflag:s0], $0x2000  }
0x71: {  	[sflag:s0] =	ssyncset.done @!p0 $0x0  }
0x72: {  	s6 =	sadd.s32 @!p1 $0x4E80, s22;
	[sflag:s0] =	ssyncadd.s32 @!p0 $0xFFFFE000  }
0x73: {  	[tilespmem:s6], [sflag:s3] =	stream.indirect.gather @!p1 [hbm4b:s4+s2], $0x80, s28, s2, $0xb8;
	[tilespmem:$0x1EE80] =	vst v63  }
0x74: {  	_ =	swait.ge [sflag:s24], $0x2000  }
0x75: {  	[sflag:s24] =	ssyncset.done $0x0  }
0x76: {  	s30 =	stileid.u32;
	s26 =	sadd.s32 $0x1, s26;
	[sflag:s24] =	ssyncadd.s32 $0xFFFFE000  }
0x77: {  	s0 =	sshll.u32 s30, $0x6;
	p0 =	sne.s32 s26, s9;
	[bflag:$0x0] =	sbarrier.arrive $0xFFFF  }
.Ltmp2:
0x78: {  	s0 =	sor.u32 $0x1C07, s0;
	s31 =	rddreg [dreg:$0x6];
	(pc) =	sbr.rel @p0 .LBB2_1-.Ltmp2, $4  }
0x79: {  	[hbm:s31], [sflag:s0] =	dma.local [spmem:s25], $0x2800  }
0x7a: {  	_ =	swait.ge [sflag:s20], $0x2800  }
0x7b: {  	[sflag:s20] =	ssyncset.done $0x0  }
0x7c: {  	[sflag:s20] =	ssyncadd.s32 $0xFFFFD800  }
0x7d: {  	_ =	sfence.sel $0x180000  }
0x7e: {  	[bflag:$0x0] =	sbarrier.arrive $0xFFFF  }
0x7f: {  	_ =	strace $0x9000004A  }
0x80: {  	s0 =	stileid.u32;
	[bflag:$0x2] =	sbarrier.arrive $0xFFFF  }
0x81: {  	p0 =	sne.s32 s0, $0x0;
	s0 =	rddreg [dreg:$0x3]  }
0x82: {  	s0 =	sadd.s32 @!p0 $0x100000, s0  }
0x83: {  	[sflag:s0] =	ssyncadd.tile.s32 @!p0 $0x1;
	_ =	shalt  }
.Lfunc_end2:
_tile_overlayer_lowered:
.L_overlay_start_2:
0x84: {  	(tag) =	ssettag $0x2  }
0x85: {  	s0 =	rddreg [dreg:$0x0];
	s2 =	stileid.u32  }
0x86: {  	s1 =	rddreg [dreg:$0x1];
	p0 =	sne.s32 s2, $0x0  }
0x87: {  	s3 =	rddreg [dreg:$0x2];
	[bflag:$0x3] =	sbarrier.arrive $0xFFFF;
	s2 =	simm.s32 @!p0 $0x1C07  }
0x88: {  	[timem:s3], [sflag:s2] =	dma.local @!p0 [hbm:s0], s1  }
0x89: {  	s0 =	simm.s32 @!p0 $0x7  }
0x8a: {  	_ =	swait.ge @!p0 [sflag:s0], s1  }
0x8b: {  	s1 =	ssub.s32 @!p0 $0x0, s1;
	[sflag:s0] =	ssyncset.done @!p0 $0x0  }
0x8c: {  	[sflag:s0] =	ssyncadd.s32 @!p0 s1  }
0x8d: {  	[bflag:$0x3] =	sbarrier.arrive $0xFFFF  }
0x8e: {  	_ =	shalt  }

// kernel: kernel.14.cloned.1.call-start
scs
__scs_entry_jumppad:
0x0: {  	(pc) =	sbr.rel $0x88, $3  }
0x1: {  	(tag) =	ssettag $0x0;
	lr =	simm.s32 $0x1  }
0x2: {  	[smem:$0x3F9B] =	sst lr;
	_ =	strace $0xD0000000  }
0x3: {  	_ = 	snop  }
0x4: {  	_ = 	snop  }
0x5: {  	_ = 	snop  }
0x6: {  	_ = 	snop  }
0x7: {  	_ = 	snop  }
__scs_overlays_trampoline_lowered:
0x8: {  	[smem:$0x3FAA] =	sst s0  }
0x9: {  	[smem:$0x3FAB] =	sst s1  }
0xa: {  	[smem:$0x3FAC] =	sst s2  }
0xb: {  	[smem:$0x3FAD] =	sst s3  }
0xc: {  	[smem:$0x3FAE] =	sst s4  }
0xd: {  	[smem:$0x3FAF] =	sst s5  }
0xe: {  	[smem:$0x3FB0] =	sst s6  }
0xf: {  	[smem:$0x3FB1] =	sst s7  }
0x10: {  	[smem:$0x3FB2] =	sst s8  }
0x11: {  	[smem:$0x3FB3] =	sst s9;
	s0 =	simm.s32 @!p0 $0x0  }
0x12: {  	s1 =	sld [smem:$0x3F99];
	s0 =	simm.s32 @p0 $0x1  }
0x13: {  	[smem:$0x3FB4] =	sst s0;
	s0 =	simm.s32 @!p1 $0x0  }
0x14: {  	s2 =	sld [smem:$0x3F98];
	s0 =	simm.s32 @p1 $0x1  }
0x15: {  	[smem:$0x3FB5] =	sst s0;
	s0 =	simm.s32 @!p2 $0x0  }
0x16: {  	s3 =	sld [smem:$0x3FDB];
	s0 =	simm.s32 @p2 $0x1  }
0x17: {  	s4 =	simm.s32 $0x1BF5;
	[smem:$0x3FB7] =	sst s0  }
0x18: {  	s0 =	sld [smem:$0x3F9A];
	_ =	swait.ge [sflag:s4], $0x0  }
0x19: {  	s7 =	sld [smem:$0x3F9B]  }
0x1a: {  	s8 =	sadd.s32 $0xFFFFE003, lr  }
0x1b: {  	s9 =	sadd.s32 $0xFFFFFEF7, lr;
	s5 =	simm.s32 $0xFFFFFFFF;
	p2 =	slt.u32 s8, $0xFFFFF086  }
0x1c: {  	p1 =	slt.u32 s9, $0xF7A;
	s5 =	simm.s32 @!p2 $0x0  }
0x1d: {  	s5 =	simm.s32 @p1 $0x1;
	p0 =	seq.s32 s7, s2  }
0x1e: {  	s7 =	smul.u32 @!p0 $0xF7A, s2;
	p2 =	seq.s32 @!p0 s5, $0x0  }
0x1f: {  	s9 =	smul.u32 $0xF7A, s1;
	s8 =	simm.s32 @!p0 $0x1BF5;
	p2 =	por !p2, p0  }
0x20: {  	[sflag:s8] =	ssyncset.s32 @!p0 $0xFFFFF086;
	s6 =	sadd.s32 @!p0 s3, s7;
	s7 =	simm.s32 @!p0 $0x108  }
0x21: {  	s3 =	sadd.s32 s3, s9;
	s6 =	sadd.s32 @!p0 $0x88, s6;
	s7 =	simm.s32 @p2 $0x1082  }
0x22: {  	[simem:s7], [sflag:s8] =	dma.local @!p0 [hbm:s6], $0xF7A  }
0x23: {  	s9 =	sor.u32 $0xD0000000, s2;
	s6 =	simm.s32 $0x108;
	_ =	swait.ge @!p0 [sflag:s8], $0x0  }
0x24: {  	s3 =	sadd.s32 $0x88, s3;
	s6 =	simm.s32 @!p1 $0x1082;
	[sflag:s4] =	ssyncset.s32 $0xFFFFF086  }
0x25: {  	[simem:s6], [sflag:s4] =	dma.local [hbm:s3], $0xF7A  }
0x26: {  	[smem:$0x3F9B] =	sst s1;
	(tag) =	ssettag s2;
	_ =	strace s9  }
0x27: {  	s1 =	sld [smem:$0x3FAB]  }
0x28: {  	s2 =	sld [smem:$0x3FAC]  }
0x29: {  	s4 =	sld [smem:$0x3FAE]  }
0x2a: {  	p0 =	seq.s32 s5, $0x0;
	s5 =	sld [smem:$0x3FAF]  }
0x2b: {  	s6 =	sld [smem:$0x3FB0]  }
0x2c: {  	s7 =	sld [smem:$0x3FB1]  }
0x2d: {  	s3 =	simm.s32 $0x108;
	s8 =	sld [smem:$0x3FB2]  }
0x2e: {  	s3 =	simm.s32 @!p0 $0x1082;
	s9 =	sld [smem:$0x3FB3]  }
0x2f: {  	lr =	sadd.s32 s0, s3;
	s0 =	sld [smem:$0x3FAA]  }
0x30: {  	s3 =	sld [smem:$0x3FAD]  }
0x31: {  	[smem:$0x3FB6] =	sst s10  }
0x32: {  	s10 =	sld [smem:$0x3FB4];
	_ =	sdelay $0x3  }
0x33: {  	p0 =	seq.s32 s10, $0x1;
	s10 =	sld [smem:$0x3FB6];
	_ =	sdelay $0x3  }
0x34: {  	[smem:$0x3FB6] =	sst s10  }
0x35: {  	s10 =	sld [smem:$0x3FB5];
	_ =	sdelay $0x3  }
0x36: {  	p1 =	seq.s32 s10, $0x1;
	s10 =	sld [smem:$0x3FB6];
	_ =	sdelay $0x3  }
0x37: {  	[smem:$0x3FB6] =	sst s10  }
0x38: {  	s10 =	sld [smem:$0x3FB7]  }
0x39: {  	_ = 	snop;
	(pc) =	sbr.ind lr, $3  }
0x3a: {  	_ = 	snop  }
0x3b: {  	_ = 	snop  }
0x3c: {  	p2 =	seq.s32 s10, $0x1;
	s10 =	sld [smem:$0x3FB6]  }
0x3d: {  	_ =	shalt  }
0x3e: {  	_ =	shalt  }
0x3f: {  	_ =	shalt  }
0x40: {  	_ =	shalt  }
0x41: {  	_ =	shalt  }
0x42: {  	_ =	shalt  }
0x43: {  	_ =	shalt  }
0x44: {  	_ =	shalt  }
0x45: {  	_ =	shalt  }
0x46: {  	_ =	shalt  }
0x47: {  	_ =	shalt  }
0x48: {  	_ =	shalt  }
0x49: {  	_ =	shalt  }
0x4a: {  	_ =	shalt  }
0x4b: {  	_ =	shalt  }
0x4c: {  	_ =	shalt  }
0x4d: {  	_ =	shalt  }
0x4e: {  	_ =	shalt  }
0x4f: {  	_ =	shalt  }
0x50: {  	_ =	shalt  }
0x51: {  	_ =	shalt  }
0x52: {  	_ =	shalt  }
0x53: {  	_ =	shalt  }
0x54: {  	_ =	shalt  }
0x55: {  	_ =	shalt  }
0x56: {  	_ =	shalt  }
0x57: {  	_ =	shalt  }
0x58: {  	_ =	shalt  }
0x59: {  	_ =	shalt  }
0x5a: {  	_ =	shalt  }
0x5b: {  	_ =	shalt  }
0x5c: {  	_ =	shalt  }
0x5d: {  	_ =	shalt  }
0x5e: {  	_ =	shalt  }
0x5f: {  	_ =	shalt  }
0x60: {  	_ =	shalt  }
0x61: {  	_ =	shalt  }
0x62: {  	_ =	shalt  }
0x63: {  	_ =	shalt  }
0x64: {  	_ =	shalt  }
0x65: {  	_ =	shalt  }
0x66: {  	_ =	shalt  }
0x67: {  	_ =	shalt  }
0x68: {  	_ =	shalt  }
0x69: {  	_ =	shalt  }
0x6a: {  	_ =	shalt  }
0x6b: {  	_ =	shalt  }
0x6c: {  	_ =	shalt  }
0x6d: {  	_ =	shalt  }
0x6e: {  	_ =	shalt  }
0x6f: {  	_ =	shalt  }
0x70: {  	_ =	shalt  }
0x71: {  	_ =	shalt  }
0x72: {  	_ =	shalt  }
0x73: {  	_ =	shalt  }
0x74: {  	_ =	shalt  }
0x75: {  	_ =	shalt  }
0x76: {  	_ =	shalt  }
0x77: {  	_ =	shalt  }
0x78: {  	_ =	shalt  }
0x79: {  	_ =	shalt  }
0x7a: {  	_ =	shalt  }
0x7b: {  	_ =	shalt  }
0x7c: {  	_ =	shalt  }
0x7d: {  	_ =	shalt  }
0x7e: {  	_ =	shalt  }
0x7f: {  	_ =	shalt  }
0x80: {  	_ =	shalt  }
0x81: {  	_ =	shalt  }
0x82: {  	_ =	shalt  }
0x83: {  	_ =	shalt  }
0x84: {  	_ =	shalt  }
0x85: {  	_ =	shalt  }
0x86: {  	_ =	shalt  }
0x87: {  	_ =	shalt  }
.Lfunc_end0:
.L_simem_size_0:
called_computation.2_lowered:
.L_overlay_start_0:
0x88: {  	s2 =	sld [smem:$0x3FD9]  }
0x89: {  	s3 =	sld [smem:$0x3FFE];
	_ =	sdelay $0x1  }
0x8a: {  	s1 =	srdreg.scid  }
0x8b: {  	s0 =	sand.u32 $0x1, s1  }
0x8c: {  	s17 =	sshll.u32 s0, $0xA;
	s2 =	sadd.s32 s3, s2  }
0x8d: {  	s2 =	sadd.s32 s2, s17  }
0x8e: {  	[smem:$0x3FC2] =	sst s2  }
0x8f: {  	_ = 	snop  }
0x90: {  	s2 =	sld [smem:$0x3FD0];
	(tm) =	ssettm $0x1  }
0x91: {  	s18 =	sld [smem:$0x3FFB];
	_ =	sdelay $0x3  }
0x92: {  	_ =	strace s18  }
0x93: {  	s3 =	sld [smem:$0x3FFC];
	_ =	sdelay $0x3  }
0x94: {  	_ =	strace s3  }
0x95: {  	s3 =	sld [smem:$0x3FFD];
	_ =	sdelay $0x3  }
0x96: {  	_ =	strace s3  }
0x97: {  	_ =	strace $0x8FFFFFFF  }
0x98: {  	s19 =	sld [smem:$0x3FDB];
	_ =	sdelay $0x1  }
0x99: {  	s4 =	simm.s32 $_scs_section_size  }
0x9a: {  	s5 =	simm.s32 $_size__tile_overlayer_lowered;
	s6 =	simm.s32 $_tile_overlayer_lowered  }
0x9b: {  	s22 =	simm.s32 $0x1BFF;
	s21 =	sshll.u32 s6, $0x1;
	s3 =	sadd.s32 s4, s19  }
0x9c: {  	s7 =	simm.s32 $0x0;
	s20 =	sshll.u32 s5, $0x1;
	s5 =	sadd.s32 s21, s3  }
0x9d: {  	[timem:s7], [sflag:s22] =	dma.local [hbm:s5], s20  }
0x9e: {  	_ =	swait.ge [sflag:s22], s20  }
0x9f: {  	s4 =	ssub.s32 $0x0, s20;
	[sflag:s22] =	ssyncset.done $0x0  }
0xa0: {  	[sflag:s22] =	ssyncadd.s32 s4;
	_ =	sdelay $0x1  }
0xa1: {  	s23 =	simm.s32 $0x1B8B  }
0xa2: {  	_ =	swait.ge [sflag:s23], $0x1  }
0xa3: {  	[sflag:s23] =	ssyncset.done $0x0  }
0xa4: {  	s25 =	simm.s32 $0x1B8E;
	s24 =	sld [smem:$0x3FFE];
	[sflag:s23] =	ssyncadd.s32 $0xFFFFFFFF  }
0xa5: {  	s26 =	simm.s32 $execute0_lowered;
	[smem:$0x3FD2] =	sst s25  }
0xa6: {  	s5 =	sshll.u32 s26, $0x1;
	_ =	strace $0x8000004C;
	[dreg:$0x1] =	wrdreg $0xFFFFFFFF  }
0xa7: {  	s28 =	simm.s32 $_size_execute0_lowered;
	s3 =	sadd.s32 s3, s5;
	[dreg:$0x0] =	wrdreg $0x0  }
0xa8: {  	s5 =	sshll.u32 s28, $0x1;
	[dreg:$0x2] =	wrdreg s3  }
0xa9: {  	[dreg:$0x3] =	wrdreg s5  }
0xaa: {  	[dreg:$0x4] =	wrdreg $0xC0  }
0xab: {  	_ =	task [dreg:s7], $0x5FFFF  }
0xac: {  	[dreg:$0x1] =	wrdreg $0xFFFFFFFF  }
0xad: {  	[dreg:$0x0] =	wrdreg $0x60  }
0xae: {  	[dreg:$0x2] =	wrdreg s24  }
0xaf: {  	[dreg:$0x3] =	wrdreg s2  }
0xb0: {  	[dreg:$0x4] =	wrdreg $0x7E800  }
0xb1: {  	[dreg:$0x5] =	wrdreg $0x9  }
0xb2: {  	_ =	task.clear_ibuf [dreg:s7], $0x6FFFF;
	_ =	strace $0x9000004C  }
0xb3: {  	s29 =	simm.s32 $0x9;
	_ =	strace $0x8000004E  }
0xb4: {  	_ =	swait.ge [sflag:s29], $0x1  }
0xb5: {  	[sflag:s29] =	ssyncadd.s32 $0xFFFFFFFF  }
0xb6: {  	_ =	strace $0x9000004E  }
0xb7: {  	_ =	sfence  }
0xb8: {  	s30 =	sld [smem:$0x0];
	_ =	sdelay $0x2  }
0xb9: {  	s31 =	sshll.u32 s1, $0xD;
	s1 =	sshrl.u32 s1, $0x2  }
0xba: {  	s3 =	sand.u32 $0x4000, s31;
	s1 =	sadd.s32 s1, s30  }
0xbb: {  	s0 =	sor.u32 s3, s0;
	s1 =	sshll.u32 s1, $0x11  }
0xbc: {  	s0 =	sor.u32 s1, s0  }
0xbd: {  	s0 =	sadd.s32 $0x8F2B, s0  }
0xbe: {  	[sflag:s0] =	ssyncadd.remote.s32 $0x1  }
0xbf: {  	_ =	sfence.sel $0xFFFF  }
0xc0: {  	[dreg:$0x0] =	wrdreg $0xFFFFFFFF;
	(pc) =	sbr.abs _section_cstart, $3  }
0xc1: {  	[dreg:$0x1] =	wrdreg $0xFFFFFFFF  }
0xc2: {  	_ =	task.clear_ibuf [dreg:s7], $0x2FFFF;
	_ =	strace $0x9FFFFFFF  }
0xc3: {  	(tm) =	ssettm $0x7FFFFFFF  }
tec
execute0_lowered:
.L_overlay_start_1:
0x0: {  	(tag) =	ssettag $0x1  }
0x1: {  	s0 =	rddreg [dreg:$0x0]  }
0x2: {  	s2 =	rddreg [dreg:$0x1]  }
0x3: {  	s1 =	rddreg [dreg:$0x2]  }
0x4: {  	s3 =	srdreg.scid;
	s6 =	simm.s32 $0x0;
	s7 =	stileid.u32  }
0x5: {  	s19 =	simm.s32 $0x4E80;
	s20 =	simm.s32 $0x7;
	s21 =	simm.s32 $0x40  }
0x6: {  	s24 =	simm.s32 $0x4;
	s26 =	simm.s32 $0x0;
	s3 =	sand.u32 $0x1, s3  }
0x7: {  	[smem:$0x7FF] =	sst s6;
	s9 =	smul.u32 $0xA000, s7;
	s4 =	sshll.u32 s3, $0x4  }
0x8: {  	s5 =	smul.u32 $0xA0000, s3;
	_ =	strace $0x8000004D;
	s3 =	ssub.s32 $0x2, s3  }
0x9: {  	s4 =	sor.u32 s7, s4;
	s7 =	smul.u32 $0x28000, s7;
	s29 =	sshrl.u32 s3, $0x1  }
0xa: {  	s31 =	sadd.s32 s9, s1;
	s28 =	smul.u32 $0x4E8, s4;
	s4 =	sadd.s32 $0x1E00, s0  }
0xb: {  	s5 =	sadd.s32 s9, s5;
	s3 =	ssub.s32 s3, s29;
	s25 =	sshrl.u32 s31, $0x3  }
0xc: {  	s5 =	sshrl.u32 s5, $0x3;
	s7 =	sshrl.u32 s7, $0x2;
	s9 =	smax.u32 s3, $0x1  }
0xd: {  	s8 =	sadd.s32 s28, s0;
	s0 =	sadd.s32 s5, s0;
	s2 =	sadd.s32 s2, s28  }
0xe: {  	s5 =	sadd.s32 s7, s1;
	[dreg:$0x4] =	wrdreg s2;
	s30 =	sadd.s32 $0x15E00, s8  }
0xf: {  	s0 =	sadd.s32 $0x1FC00, s0;
	s10 =	sadd.s32 $0x1000, s5;
	s11 =	sadd.s32 $0x2000, s5  }
0x10: {  	s12 =	sadd.s32 $0x3000, s5;
	s13 =	sadd.s32 $0x4000, s5;
	s14 =	sadd.s32 $0x5000, s5  }
0x11: {  	s15 =	sadd.s32 $0x6000, s5;
	s16 =	sadd.s32 $0x7000, s5;
	[dreg:$0x5] =	wrdreg s30  }
0x12: {  	v0 =	vimm.f32 $0.0e+00;
	s17 =	sadd.s32 $0x8000, s5;
	s18 =	sadd.s32 $0x9000, s5;
	[dreg:$0x6] =	wrdreg s0  }
.LBB2_1:
0x13: {  	s0 =	simm.s32 $0x0  }
0x14: {  	s2 =	sand.u32 $0x3FC0, s0  }
0x15: {  	s0 =	simm.s32 $0x40;
	s2 =	sshrl.u32 s2, $0x2  }
.LBB2_2:
0x16: {  	p0 =	sne.s32 s0, $0x3FC0;
	[tilespmem:s2+$0x4E80] =	vst v0;
	s2 =	smov.u32 s0;
	s0 =	sadd.s32 $0x40, s0  }
.Ltmp0:
0x17: {  	(pc) =	sbr.rel @p0 .LBB2_2-.Ltmp0, $3  }
0x18: {  	_ =	sdelay $0x1  }
0x19: {  	s2 =	sand.u32 $0x3FC0, s2  }
0x1a: {  	s2 =	sshrl.u32 s2, $0x2  }
0x1b: {  	[tilespmem:s2+$0x4E80] =	vst v0  }
0x1c: {  	[spmem:s5] =	stream.linear.scatter [tilespmem:s19], [sflag:$0x7], $0x1000, $0x38;
	[tilespmem:$0x11E80] =	vst v63  }
0x1d: {  	_ =	swait.ge [sflag:s20], $0x1000  }
0x1e: {  	[sflag:s20] =	ssyncset.done $0x0  }
0x1f: {  	[sflag:s20] =	ssyncadd.s32 $0xFFFFF000  }
0x20: {  	[spmem:s10] =	stream.linear.scatter [tilespmem:s19], [sflag:$0x7], $0x1000, $0x38;
	[tilespmem:$0x11E80] =	vst v63  }
0x21: {  	_ =	swait.ge [sflag:s20], $0x1000  }
0x22: {  	[sflag:s20] =	ssyncset.done $0x0  }
0x23: {  	[sflag:s20] =	ssyncadd.s32 $0xFFFFF000  }
0x24: {  	[spmem:s11] =	stream.linear.scatter [tilespmem:s19], [sflag:$0x7], $0x1000, $0x38;
	[tilespmem:$0x11E80] =	vst v63  }
0x25: {  	_ =	swait.ge [sflag:s20], $0x1000  }
0x26: {  	[sflag:s20] =	ssyncset.done $0x0  }
0x27: {  	[sflag:s20] =	ssyncadd.s32 $0xFFFFF000  }
0x28: {  	[spmem:s12] =	stream.linear.scatter [tilespmem:s19], [sflag:$0x7], $0x1000, $0x38;
	[tilespmem:$0x11E80] =	vst v63  }
0x29: {  	_ =	swait.ge [sflag:s20], $0x1000  }
0x2a: {  	[sflag:s20] =	ssyncset.done $0x0  }
0x2b: {  	[sflag:s20] =	ssyncadd.s32 $0xFFFFF000  }
0x2c: {  	[spmem:s13] =	stream.linear.scatter [tilespmem:s19], [sflag:$0x7], $0x1000, $0x38;
	[tilespmem:$0x11E80] =	vst v63  }
0x2d: {  	_ =	swait.ge [sflag:s20], $0x1000  }
0x2e: {  	[sflag:s20] =	ssyncset.done $0x0  }
0x2f: {  	[sflag:s20] =	ssyncadd.s32 $0xFFFFF000  }
0x30: {  	[spmem:s14] =	stream.linear.scatter [tilespmem:s19], [sflag:$0x7], $0x1000, $0x38;
	[tilespmem:$0x11E80] =	vst v63  }
0x31: {  	_ =	swait.ge [sflag:s20], $0x1000  }
0x32: {  	[sflag:s20] =	ssyncset.done $0x0  }
0x33: {  	[sflag:s20] =	ssyncadd.s32 $0xFFFFF000  }
0x34: {  	[spmem:s15] =	stream.linear.scatter [tilespmem:s19], [sflag:$0x7], $0x1000, $0x38;
	[tilespmem:$0x11E80] =	vst v63  }
0x35: {  	_ =	swait.ge [sflag:s20], $0x1000  }
0x36: {  	[sflag:s20] =	ssyncset.done $0x0  }
0x37: {  	[sflag:s20] =	ssyncadd.s32 $0xFFFFF000  }
0x38: {  	[spmem:s16] =	stream.linear.scatter [tilespmem:s19], [sflag:$0x7], $0x1000, $0x38;
	[tilespmem:$0x11E80] =	vst v63  }
0x39: {  	_ =	swait.ge [sflag:s20], $0x1000  }
0x3a: {  	[sflag:s20] =	ssyncset.done $0x0  }
0x3b: {  	[sflag:s20] =	ssyncadd.s32 $0xFFFFF000  }
0x3c: {  	[spmem:s17] =	stream.linear.scatter [tilespmem:s19], [sflag:$0x7], $0x1000, $0x38;
	[tilespmem:$0x11E80] =	vst v63  }
0x3d: {  	_ =	swait.ge [sflag:s20], $0x1000  }
0x3e: {  	[sflag:s20] =	ssyncset.done $0x0  }
0x3f: {  	[sflag:s20] =	ssyncadd.s32 $0xFFFFF000  }
0x40: {  	[spmem:s18] =	stream.linear.scatter [tilespmem:s19], [sflag:$0x7], $0x1000, $0x38;
	[tilespmem:$0x11E80] =	vst v63  }
0x41: {  	_ =	swait.ge [sflag:s20], $0x1000  }
0x42: {  	[sflag:s20] =	ssyncset.done $0x0  }
0x43: {  	s0 =	simm.s32 $0x0;
	s7 =	rddreg [dreg:$0x4];
	[sflag:s20] =	ssyncadd.s32 $0xFFFFF000  }
0x44: {  	[tilespmem:s0], [sflag:$0x7] =	stream.linear.gather [hbm4b:s7+s0], $0x2740, $0x38;
	[tilespmem:$0x11E80] =	vst v63  }
0x45: {  	_ =	swait.ge [sflag:s20], $0x2740  }
0x46: {  	[sflag:s20] =	ssyncset.done $0x0  }
0x47: {  	s8 =	simm.s32 $0x2740;
	s3 =	rddreg [dreg:$0x5];
	[sflag:s20] =	ssyncadd.s32 $0xFFFFD8C0  }
0x48: {  	[tilespmem:s8], [sflag:$0x7] =	stream.linear.gather [hbm4b:s3+s0], $0x2740, $0x38;
	[tilespmem:$0x11E80] =	vst v63  }
0x49: {  	_ =	swait.ge [sflag:s20], $0x2740  }
0x4a: {  	[sflag:s20] =	ssyncset.done $0x0  }
0x4b: {  	s22 =	simm.s32 $0x5E80;
	p0 =	por $0x1, $0x1;
	[sflag:s20] =	ssyncadd.s32 $0xFFFFD8C0  }
0x4c: {  	p1 =	por @!p0 $0x0, $0x0;
	s3 =	simm.s32 @!p0 $0xFFFFFFFF;
	[bflag:$0x0] =	sbarrier.arrive $0xFFFF  }
0x4d: {  	[tilespmem:s19], [sflag:$0x1] =	stream.indirect.gather [hbm4b:s4+s21], $0x40, s0, s21, $0xb8;
	[tilespmem:$0x11E80] =	vst v63  }
0x4e: {  	p1 =	por p1, p0;
	s3 =	sand.u32 @!p0 $0xFF, s3;
	s0 =	smul.u32 $0xAB, s0  }
0x4f: {  	[tilespmem:s22], [sflag:$0x2] =	stream.indirect.gather [hbm4b:s4+s21], $0x40, s21, s21, $0xb8;
	[tilespmem:$0x11E80] =	vst v63  }
0x50: {  	s3 =	smul.u32 @!p0 $0xAB, s3;
	s0 =	sshrl.u32 s0, $0x9;
	s22 =	simm.s32 @!p1 $0x2  }
0x51: {  	s28 =	simm.s32 $0x80;
	s0 =	sand.u32 $0x7F, s0;
	s22 =	smul.u32 @!p1 $0xAB, s22  }
0x52: {  	s23 =	simm.s32 $0x6E80;
	s3 =	sshrl.u32 @!p0 s3, $0x9;
	s0 =	smul.u32 $0x3, s0  }
0x53: {  	[tilespmem:s23], [sflag:$0x3] =	stream.indirect.gather [hbm4b:s4+s21], $0x40, s28, s21, $0xb8;
	[tilespmem:$0x11E80] =	vst v63  }
0x54: {  	s3 =	smul.u32 @!p0 $0x3, s3;
	s22 =	sshrl.u32 @!p1 s22, $0x9;
	s0 =	ssub.s32 $0x0, s0  }
0x55: {  	s29 =	simm.s32 $0x1;
	s22 =	sand.u32 @!p1 $0x7F, s22;
	s0 =	sand.u32 $0xFF, s0  }
0x56: {  	s3 =	ssub.s32 @!p0 $0xFFFFFFFF, s3;
	s22 =	smul.u32 @!p1 $0x3, s22;
	s30 =	sadd.s32 $0x1, s0  }
0x57: {  	s3 =	sor.u32 @!p0 $0x4, s3;
	s31 =	sshll.u32 s0, $0xC;
	_ =	swait.ge [sflag:s30], $0x1000  }
0x58: {  	s0 =	sor.u32 $0x4, s0;
	s22 =	ssub.s32 @!p1 $0x2, s22;
	[sflag:s30] =	ssyncset.done $0x0  }
0x59: {  	s31 =	sor.u32 $0x4E80, s31;
	s2 =	sand.u32 @!p1 $0xFF, s22;
	[sflag:s30] =	ssyncadd.s32 $0xFFFFF000  }
0x5a: {  	[spmem:s1] =	stream.indirect.scatter.add.f32 [tilespmem:s31], [sflag:s0], $0x40, s8, s21, $0xb8;
	[tilespmem:$0x11E80] =	vst v63  }
0x5b: {  	s30 =	simm.s32 $0x2780;
	s22 =	sshll.u32 @!p1 s2, $0xC;
	s0 =	sand.u32 @!p0 $0xFF, s3  }
0x5c: {  	s31 =	simm.s32 $0xC0;
	s3 =	sadd.s32 @!p1 $0x1, s2;
	s2 =	simm.s32 @!p1 $0x40  }
.LBB2_4:
0x5d: {  	_ =	swait.ge @!p0 [sflag:s0], $0x1000;
	s22 =	sor.u32 @!p1 $0x4E80, s22  }
0x5e: {  	s23 =	smov.u32 s29;
	s29 =	sadd.s32 $0x1, s29;
	s6 =	smov.u32 s30  }
0x5f: {  	p2 =	sne.s32 s29, $0x9D;
	[sflag:s0] =	ssyncset.done @!p0 $0x0  }
0x60: {  	s7 =	smul.u32 $0xAB, s23;
	[sflag:s0] =	ssyncadd.s32 @!p0 $0xFFFFF000  }
0x61: {  	[tilespmem:s22], [sflag:s3] =	stream.indirect.gather @!p1 [hbm4b:s4+s2], $0x40, s28, s2, $0xb8;
	[tilespmem:$0x11E80] =	vst v63  }
0x62: {  	p0 =	seq.s32 s23, $0x0;
	s0 =	sshrl.u32 s7, $0x9;
	s28 =	smov.u32 s31  }
0x63: {  	s2 =	sadd.s32 @!p0 $0xFFFFFFFF, s23;
	p1 =	sgt.u32 @!p0 s23, $0x9A;
	s0 =	sand.u32 $0x7F, s0  }
0x64: {  	s3 =	sand.u32 @!p0 $0xFF, s2;
	p1 =	por p1, p0;
	s0 =	smul.u32 $0x3, s0  }
0x65: {  	s3 =	smul.u32 @!p0 $0xAB, s3;
	s7 =	sadd.s32 @!p1 $0x2, s23  }
0x66: {  	s22 =	smul.u32 @!p1 $0xAB, s7;
	s0 =	ssub.s32 s23, s0  }
0x67: {  	s30 =	sadd.s32 $0x40, s30;
	s23 =	sand.u32 $0xFF, s0;
	s0 =	sshrl.u32 @!p0 s3, $0x9  }
0x68: {  	s22 =	sshrl.u32 @!p1 s22, $0x9;
	s3 =	sadd.s32 $0x1, s23;
	s0 =	smul.u32 @!p0 $0x3, s0  }
0x69: {  	s8 =	sshll.u32 s23, $0xC;
	s22 =	sand.u32 @!p1 $0x7F, s22;
	_ =	swait.ge [sflag:s3], $0x1000  }
0x6a: {  	s0 =	ssub.s32 @!p0 s2, s0;
	s2 =	smul.u32 @!p1 $0x3, s22;
	[sflag:s3] =	ssyncset.done $0x0  }
.Ltmp1:
0x6b: {  	s0 =	sor.u32 @!p0 $0x4, s0;
	[sflag:s3] =	ssyncadd.s32 $0xFFFFF000;
	(pc) =	sbr.rel @p2 .LBB2_4-.Ltmp1, $4  }
0x6c: {  	s31 =	sadd.s32 $0x40, s31;
	s0 =	sand.u32 @!p0 $0xFF, s0;
	s2 =	ssub.s32 @!p1 s7, s2  }
0x6d: {  	s7 =	sor.u32 $0x4E80, s8;
	s8 =	sor.u32 $0x4, s23;
	s2 =	sand.u32 @!p1 $0xFF, s2  }
0x6e: {  	s22 =	sshll.u32 @!p1 s2, $0xC;
	s3 =	sadd.s32 @!p1 $0x1, s2;
	s2 =	simm.s32 @!p1 $0x40  }
0x6f: {  	[spmem:s1] =	stream.indirect.scatter.add.f32 [tilespmem:s7], [sflag:s8], $0x40, s6, s21, $0xb8;
	[tilespmem:$0x11E80] =	vst v63  }
0x70: {  	_ =	swait.ge @!p0 [sflag:s0], $0x1000  }
0x71: {  	[sflag:s0] =	ssyncset.done @!p0 $0x0  }
0x72: {  	s6 =	sor.u32 @!p1 $0x4E80, s22;
	[sflag:s0] =	ssyncadd.s32 @!p0 $0xFFFFF000  }
0x73: {  	[tilespmem:s6], [sflag:s3] =	stream.indirect.gather @!p1 [hbm4b:s4+s2], $0x40, s28, s2, $0xb8;
	[tilespmem:$0x11E80] =	vst v63  }
0x74: {  	_ =	swait.ge [sflag:s24], $0x1000  }
0x75: {  	[sflag:s24] =	ssyncset.done $0x0  }
0x76: {  	s30 =	stileid.u32;
	s26 =	sadd.s32 $0x1, s26;
	[sflag:s24] =	ssyncadd.s32 $0xFFFFF000  }
0x77: {  	s0 =	sshll.u32 s30, $0x6;
	p0 =	sne.s32 s26, s9;
	[bflag:$0x0] =	sbarrier.arrive $0xFFFF  }
.Ltmp2:
0x78: {  	s0 =	sor.u32 $0x1C07, s0;
	s31 =	rddreg [dreg:$0x6];
	(pc) =	sbr.rel @p0 .LBB2_1-.Ltmp2, $4  }
0x79: {  	[hbm:s31], [sflag:s0] =	dma.local [spmem:s25], $0x1400  }
0x7a: {  	_ =	swait.ge [sflag:s20], $0x1400  }
0x7b: {  	[sflag:s20] =	ssyncset.done $0x0  }
0x7c: {  	[sflag:s20] =	ssyncadd.s32 $0xFFFFEC00  }
0x7d: {  	_ =	sfence.sel $0x180000  }
0x7e: {  	[bflag:$0x0] =	sbarrier.arrive $0xFFFF  }
0x7f: {  	_ =	strace $0x9000004D  }
0x80: {  	s0 =	stileid.u32;
	[bflag:$0x2] =	sbarrier.arrive $0xFFFF  }
0x81: {  	p0 =	sne.s32 s0, $0x0;
	s0 =	rddreg [dreg:$0x3]  }
0x82: {  	s0 =	sadd.s32 @!p0 $0x100000, s0  }
0x83: {  	[sflag:s0] =	ssyncadd.tile.s32 @!p0 $0x1;
	_ =	shalt  }
.Lfunc_end2:
_tile_overlayer_lowered:
.L_overlay_start_2:
0x84: {  	(tag) =	ssettag $0x2  }
0x85: {  	s0 =	rddreg [dreg:$0x0];
	s2 =	stileid.u32  }
0x86: {  	s1 =	rddreg [dreg:$0x1];
	p0 =	sne.s32 s2, $0x0  }
0x87: {  	s3 =	rddreg [dreg:$0x2];
	[bflag:$0x3] =	sbarrier.arrive $0xFFFF;
	s2 =	simm.s32 @!p0 $0x1C07  }
0x88: {  	[timem:s3], [sflag:s2] =	dma.local @!p0 [hbm:s0], s1  }
0x89: {  	s0 =	simm.s32 @!p0 $0x7  }
0x8a: {  	_ =	swait.ge @!p0 [sflag:s0], s1  }
0x8b: {  	s1 =	ssub.s32 @!p0 $0x0, s1;
	[sflag:s0] =	ssyncset.done @!p0 $0x0  }
0x8c: {  	[sflag:s0] =	ssyncadd.s32 @!p0 s1  }
0x8d: {  	[bflag:$0x3] =	sbarrier.arrive $0xFFFF  }
0x8e: {  	_ =	shalt  }

// kernel: kernel.8.cloned.1.call-start
scs
__scs_entry_jumppad:
0x0: {  	(pc) =	sbr.rel $0x88, $3  }
0x1: {  	(tag) =	ssettag $0x0;
	lr =	simm.s32 $0x1  }
0x2: {  	[smem:$0x3F9B] =	sst lr;
	_ =	strace $0xD0000000  }
0x3: {  	_ = 	snop  }
0x4: {  	_ = 	snop  }
0x5: {  	_ = 	snop  }
0x6: {  	_ = 	snop  }
0x7: {  	_ = 	snop  }
__scs_overlays_trampoline_lowered:
0x8: {  	[smem:$0x3FAA] =	sst s0  }
0x9: {  	[smem:$0x3FAB] =	sst s1  }
0xa: {  	[smem:$0x3FAC] =	sst s2  }
0xb: {  	[smem:$0x3FAD] =	sst s3  }
0xc: {  	[smem:$0x3FAE] =	sst s4  }
0xd: {  	[smem:$0x3FAF] =	sst s5  }
0xe: {  	[smem:$0x3FB0] =	sst s6  }
0xf: {  	[smem:$0x3FB1] =	sst s7  }
0x10: {  	[smem:$0x3FB2] =	sst s8  }
0x11: {  	[smem:$0x3FB3] =	sst s9;
	s0 =	simm.s32 @!p0 $0x0  }
0x12: {  	s1 =	sld [smem:$0x3F99];
	s0 =	simm.s32 @p0 $0x1  }
0x13: {  	[smem:$0x3FB4] =	sst s0;
	s0 =	simm.s32 @!p1 $0x0  }
0x14: {  	s2 =	sld [smem:$0x3F98];
	s0 =	simm.s32 @p1 $0x1  }
0x15: {  	[smem:$0x3FB5] =	sst s0;
	s0 =	simm.s32 @!p2 $0x0  }
0x16: {  	s3 =	sld [smem:$0x3FDB];
	s0 =	simm.s32 @p2 $0x1  }
0x17: {  	s4 =	simm.s32 $0x1BF5;
	[smem:$0x3FB7] =	sst s0  }
0x18: {  	s0 =	sld [smem:$0x3F9A];
	_ =	swait.ge [sflag:s4], $0x0  }
0x19: {  	s7 =	sld [smem:$0x3F9B]  }
0x1a: {  	s8 =	sadd.s32 $0xFFFFE003, lr  }
0x1b: {  	s9 =	sadd.s32 $0xFFFFFEF7, lr;
	s5 =	simm.s32 $0xFFFFFFFF;
	p2 =	slt.u32 s8, $0xFFFFF086  }
0x1c: {  	p1 =	slt.u32 s9, $0xF7A;
	s5 =	simm.s32 @!p2 $0x0  }
0x1d: {  	s5 =	simm.s32 @p1 $0x1;
	p0 =	seq.s32 s7, s2  }
0x1e: {  	s7 =	smul.u32 @!p0 $0xF7A, s2;
	p2 =	seq.s32 @!p0 s5, $0x0  }
0x1f: {  	s9 =	smul.u32 $0xF7A, s1;
	s8 =	simm.s32 @!p0 $0x1BF5;
	p2 =	por !p2, p0  }
0x20: {  	[sflag:s8] =	ssyncset.s32 @!p0 $0xFFFFF086;
	s6 =	sadd.s32 @!p0 s3, s7;
	s7 =	simm.s32 @!p0 $0x108  }
0x21: {  	s3 =	sadd.s32 s3, s9;
	s6 =	sadd.s32 @!p0 $0x88, s6;
	s7 =	simm.s32 @p2 $0x1082  }
0x22: {  	[simem:s7], [sflag:s8] =	dma.local @!p0 [hbm:s6], $0xF7A  }
0x23: {  	s9 =	sor.u32 $0xD0000000, s2;
	s6 =	simm.s32 $0x108;
	_ =	swait.ge @!p0 [sflag:s8], $0x0  }
0x24: {  	s3 =	sadd.s32 $0x88, s3;
	s6 =	simm.s32 @!p1 $0x1082;
	[sflag:s4] =	ssyncset.s32 $0xFFFFF086  }
0x25: {  	[simem:s6], [sflag:s4] =	dma.local [hbm:s3], $0xF7A  }
0x26: {  	[smem:$0x3F9B] =	sst s1;
	(tag) =	ssettag s2;
	_ =	strace s9  }
0x27: {  	s1 =	sld [smem:$0x3FAB]  }
0x28: {  	s2 =	sld [smem:$0x3FAC]  }
0x29: {  	s4 =	sld [smem:$0x3FAE]  }
0x2a: {  	p0 =	seq.s32 s5, $0x0;
	s5 =	sld [smem:$0x3FAF]  }
0x2b: {  	s6 =	sld [smem:$0x3FB0]  }
0x2c: {  	s7 =	sld [smem:$0x3FB1]  }
0x2d: {  	s3 =	simm.s32 $0x108;
	s8 =	sld [smem:$0x3FB2]  }
0x2e: {  	s3 =	simm.s32 @!p0 $0x1082;
	s9 =	sld [smem:$0x3FB3]  }
0x2f: {  	lr =	sadd.s32 s0, s3;
	s0 =	sld [smem:$0x3FAA]  }
0x30: {  	s3 =	sld [smem:$0x3FAD]  }
0x31: {  	[smem:$0x3FB6] =	sst s10  }
0x32: {  	s10 =	sld [smem:$0x3FB4];
	_ =	sdelay $0x3  }
0x33: {  	p0 =	seq.s32 s10, $0x1;
	s10 =	sld [smem:$0x3FB6];
	_ =	sdelay $0x3  }
0x34: {  	[smem:$0x3FB6] =	sst s10  }
0x35: {  	s10 =	sld [smem:$0x3FB5];
	_ =	sdelay $0x3  }
0x36: {  	p1 =	seq.s32 s10, $0x1;
	s10 =	sld [smem:$0x3FB6];
	_ =	sdelay $0x3  }
0x37: {  	[smem:$0x3FB6] =	sst s10  }
0x38: {  	s10 =	sld [smem:$0x3FB7]  }
0x39: {  	_ = 	snop;
	(pc) =	sbr.ind lr, $3  }
0x3a: {  	_ = 	snop  }
0x3b: {  	_ = 	snop  }
0x3c: {  	p2 =	seq.s32 s10, $0x1;
	s10 =	sld [smem:$0x3FB6]  }
0x3d: {  	_ =	shalt  }
0x3e: {  	_ =	shalt  }
0x3f: {  	_ =	shalt  }
0x40: {  	_ =	shalt  }
0x41: {  	_ =	shalt  }
0x42: {  	_ =	shalt  }
0x43: {  	_ =	shalt  }
0x44: {  	_ =	shalt  }
0x45: {  	_ =	shalt  }
0x46: {  	_ =	shalt  }
0x47: {  	_ =	shalt  }
0x48: {  	_ =	shalt  }
0x49: {  	_ =	shalt  }
0x4a: {  	_ =	shalt  }
0x4b: {  	_ =	shalt  }
0x4c: {  	_ =	shalt  }
0x4d: {  	_ =	shalt  }
0x4e: {  	_ =	shalt  }
0x4f: {  	_ =	shalt  }
0x50: {  	_ =	shalt  }
0x51: {  	_ =	shalt  }
0x52: {  	_ =	shalt  }
0x53: {  	_ =	shalt  }
0x54: {  	_ =	shalt  }
0x55: {  	_ =	shalt  }
0x56: {  	_ =	shalt  }
0x57: {  	_ =	shalt  }
0x58: {  	_ =	shalt  }
0x59: {  	_ =	shalt  }
0x5a: {  	_ =	shalt  }
0x5b: {  	_ =	shalt  }
0x5c: {  	_ =	shalt  }
0x5d: {  	_ =	shalt  }
0x5e: {  	_ =	shalt  }
0x5f: {  	_ =	shalt  }
0x60: {  	_ =	shalt  }
0x61: {  	_ =	shalt  }
0x62: {  	_ =	shalt  }
0x63: {  	_ =	shalt  }
0x64: {  	_ =	shalt  }
0x65: {  	_ =	shalt  }
0x66: {  	_ =	shalt  }
0x67: {  	_ =	shalt  }
0x68: {  	_ =	shalt  }
0x69: {  	_ =	shalt  }
0x6a: {  	_ =	shalt  }
0x6b: {  	_ =	shalt  }
0x6c: {  	_ =	shalt  }
0x6d: {  	_ =	shalt  }
0x6e: {  	_ =	shalt  }
0x6f: {  	_ =	shalt  }
0x70: {  	_ =	shalt  }
0x71: {  	_ =	shalt  }
0x72: {  	_ =	shalt  }
0x73: {  	_ =	shalt  }
0x74: {  	_ =	shalt  }
0x75: {  	_ =	shalt  }
0x76: {  	_ =	shalt  }
0x77: {  	_ =	shalt  }
0x78: {  	_ =	shalt  }
0x79: {  	_ =	shalt  }
0x7a: {  	_ =	shalt  }
0x7b: {  	_ =	shalt  }
0x7c: {  	_ =	shalt  }
0x7d: {  	_ =	shalt  }
0x7e: {  	_ =	shalt  }
0x7f: {  	_ =	shalt  }
0x80: {  	_ =	shalt  }
0x81: {  	_ =	shalt  }
0x82: {  	_ =	shalt  }
0x83: {  	_ =	shalt  }
0x84: {  	_ =	shalt  }
0x85: {  	_ =	shalt  }
0x86: {  	_ =	shalt  }
0x87: {  	_ =	shalt  }
.Lfunc_end0:
.L_simem_size_0:
called_computation_lowered:
.L_overlay_start_0:
0x88: {  	s2 =	sld [smem:$0x3FD9]  }
0x89: {  	s3 =	sld [smem:$0x3FFE];
	_ =	sdelay $0x1  }
0x8a: {  	s1 =	srdreg.scid  }
0x8b: {  	s0 =	sand.u32 $0x1, s1  }
0x8c: {  	s16 =	sshll.u32 s0, $0xA;
	s2 =	sadd.s32 s3, s2  }
0x8d: {  	s2 =	sadd.s32 s2, s16  }
0x8e: {  	[smem:$0x3FC2] =	sst s2  }
0x8f: {  	_ = 	snop  }
0x90: {  	(tm) =	ssettm $0x1  }
0x91: {  	s17 =	sld [smem:$0x3FFB];
	_ =	sdelay $0x3  }
0x92: {  	_ =	strace s17  }
0x93: {  	s2 =	sld [smem:$0x3FFC];
	_ =	sdelay $0x3  }
0x94: {  	_ =	strace s2  }
0x95: {  	s2 =	sld [smem:$0x3FFD];
	_ =	sdelay $0x3  }
0x96: {  	_ =	strace s2  }
0x97: {  	_ =	strace $0x8FFFFFFF  }
0x98: {  	s18 =	sld [smem:$0x3FDB];
	_ =	sdelay $0x1  }
0x99: {  	s19 =	simm.s32 $_scs_section_size  }
0x9a: {  	s4 =	simm.s32 $_size__tile_overlayer_lowered;
	s5 =	simm.s32 $_tile_overlayer_lowered  }
0x9b: {  	s22 =	simm.s32 $0x1BFF;
	s21 =	sshll.u32 s5, $0x1;
	s2 =	sadd.s32 s19, s18  }
0x9c: {  	s6 =	simm.s32 $0x0;
	s20 =	sshll.u32 s4, $0x1;
	s4 =	sadd.s32 s21, s2  }
0x9d: {  	[timem:s6], [sflag:s22] =	dma.local [hbm:s4], s20  }
0x9e: {  	_ =	swait.ge [sflag:s22], s20  }
0x9f: {  	s3 =	ssub.s32 $0x0, s20;
	[sflag:s22] =	ssyncset.done $0x0  }
0xa0: {  	[sflag:s22] =	ssyncadd.s32 s3;
	_ =	sdelay $0x1  }
0xa1: {  	s23 =	simm.s32 $0x1B8B  }
0xa2: {  	_ =	swait.ge [sflag:s23], $0x1  }
0xa3: {  	[sflag:s23] =	ssyncset.done $0x0  }
0xa4: {  	s25 =	simm.s32 $0x1B8E;
	s24 =	sld [smem:$0x3FFE];
	[sflag:s23] =	ssyncadd.s32 $0xFFFFFFFF  }
0xa5: {  	s26 =	simm.s32 $execute0_lowered;
	[smem:$0x3FD2] =	sst s25  }
0xa6: {  	s4 =	sshll.u32 s26, $0x1;
	_ =	strace $0x80000046;
	[dreg:$0x1] =	wrdreg $0xFFFFFFFF  }
0xa7: {  	s28 =	simm.s32 $_size_execute0_lowered;
	s2 =	sadd.s32 s2, s4;
	[dreg:$0x0] =	wrdreg $0x0  }
0xa8: {  	s4 =	sshll.u32 s28, $0x1;
	[dreg:$0x2] =	wrdreg s2  }
0xa9: {  	[dreg:$0x3] =	wrdreg s4  }
0xaa: {  	[dreg:$0x4] =	wrdreg $0xC0  }
0xab: {  	_ =	task [dreg:s6], $0x5FFFF  }
0xac: {  	[dreg:$0x1] =	wrdreg $0xFFFFFFFF  }
0xad: {  	[dreg:$0x0] =	wrdreg $0x60  }
0xae: {  	[dreg:$0x2] =	wrdreg s24  }
0xaf: {  	[dreg:$0x3] =	wrdreg $0xA3000  }
0xb0: {  	[dreg:$0x4] =	wrdreg $0xA5800  }
0xb1: {  	[dreg:$0x5] =	wrdreg $0x9  }
0xb2: {  	_ =	task.clear_ibuf [dreg:s6], $0x6FFFF;
	_ =	strace $0x90000046  }
0xb3: {  	s29 =	simm.s32 $0x9;
	_ =	strace $0x80000048  }
0xb4: {  	_ =	swait.ge [sflag:s29], $0x1  }
0xb5: {  	[sflag:s29] =	ssyncadd.s32 $0xFFFFFFFF  }
0xb6: {  	_ =	strace $0x90000048  }
0xb7: {  	_ =	sfence  }
0xb8: {  	s30 =	sld [smem:$0x0];
	_ =	sdelay $0x2  }
0xb9: {  	s31 =	sshll.u32 s1, $0xD;
	s1 =	sshrl.u32 s1, $0x2  }
0xba: {  	s3 =	sand.u32 $0x4000, s31;
	s1 =	sadd.s32 s1, s30  }
0xbb: {  	s0 =	sor.u32 s3, s0;
	s1 =	sshll.u32 s1, $0x11  }
0xbc: {  	s0 =	sor.u32 s1, s0  }
0xbd: {  	s0 =	sadd.s32 $0x8F2B, s0  }
0xbe: {  	[sflag:s0] =	ssyncadd.remote.s32 $0x1  }
0xbf: {  	_ =	sfence.sel $0xFFFF  }
0xc0: {  	[dreg:$0x0] =	wrdreg $0xFFFFFFFF;
	(pc) =	sbr.abs _section_cstart, $3  }
0xc1: {  	[dreg:$0x1] =	wrdreg $0xFFFFFFFF  }
0xc2: {  	_ =	task.clear_ibuf [dreg:s6], $0x2FFFF;
	_ =	strace $0x9FFFFFFF  }
0xc3: {  	(tm) =	ssettm $0x7FFFFFFF  }
tec
execute0_lowered:
.L_overlay_start_1:
0x0: {  	(tag) =	ssettag $0x1  }
0x1: {  	s5 =	rddreg [dreg:$0x0]  }
0x2: {  	s1 =	rddreg [dreg:$0x1]  }
0x3: {  	s14 =	rddreg [dreg:$0x2]  }
0x4: {  	s2 =	srdreg.scid;
	s0 =	stileid.u32  }
0x5: {  	s4 =	simm.s32 $0x0;
	s12 =	simm.s32 $0xA080;
	s13 =	simm.s32 $0x2  }
0x6: {  	s15 =	simm.s32 $0x40;
	s16 =	simm.s32 $0xA000;
	s17 =	simm.s32 $0x80  }
0x7: {  	s18 =	simm.s32 $0x100;
	s19 =	simm.s32 $0x180;
	s20 =	simm.s32 $0x200  }
0x8: {  	s21 =	simm.s32 $0x280;
	s22 =	simm.s32 $0x300;
	s23 =	simm.s32 $0x380  }
0x9: {  	s24 =	simm.s32 $0x1;
	s25 =	simm.s32 $0x20;
	s26 =	simm.s32 $0x10  }
0xa: {  	s28 =	simm.s32 $0x0;
	s6 =	sand.u32 $0x1, s2;
	s9 =	smul.u32 $0x500, s0  }
0xb: {  	[smem:$0x7FF] =	sst s4;
	s30 =	smul.u32 $0x280, s0;
	s8 =	sshll.u32 s6, $0x4  }
0xc: {  	s7 =	smul.u32 $0x5000, s6;
	s6 =	ssub.s32 $0x2, s6;
	s8 =	sor.u32 s0, s8  }
0xd: {  	_ =	strace $0x80000047;
	s31 =	sshrl.u32 s6, $0x1;
	s8 =	smul.u32 $0xA00, s8  }
0xe: {  	s7 =	sadd.s32 s9, s7;
	s11 =	ssub.s32 s6, s31;
	s6 =	sadd.s32 s30, s14  }
0xf: {  	s7 =	sshrl.u32 s7, $0x3;
	s11 =	smax.u32 s11, $0x1;
	s8 =	sadd.s32 s8, s5  }
0x10: {  	s10 =	sadd.s32 s7, s5;
	s5 =	sadd.s32 s30, s1;
	s7 =	sadd.s32 $0x1E00, s8  }
0x11: {  	v0 =	vimm.f32 $0.0e+00;
	v1 =	vimm.f32 $1.000000000e+00;
	s8 =	sadd.s32 $0x1FC00, s8;
	s9 =	sadd.s32 $0x33C00, s10;
	s10 =	sadd.s32 $0x33C10, s10  }
.LBB2_1:
0x12: {  	[tilespmem:$0xA080] =	vst v0  }
0x13: {  	[tilespmem:$0xA090] =	vst v0  }
0x14: {  	[tilespmem:$0xA0A0] =	vst v0  }
0x15: {  	[tilespmem:$0xA0B0] =	vst v0  }
0x16: {  	[tilespmem:$0xA0C0] =	vst v0  }
0x17: {  	[tilespmem:$0xA0D0] =	vst v0  }
0x18: {  	[tilespmem:$0xA0E0] =	vst v0  }
0x19: {  	[tilespmem:$0xA0F0] =	vst v0  }
0x1a: {  	[tilespmem:$0xA100] =	vst v0  }
0x1b: {  	[tilespmem:$0xA110] =	vst v0  }
0x1c: {  	[tilespmem:$0xA120] =	vst v0  }
0x1d: {  	[tilespmem:$0xA130] =	vst v0  }
0x1e: {  	[tilespmem:$0xA140] =	vst v0  }
0x1f: {  	[tilespmem:$0xA150] =	vst v0  }
0x20: {  	[tilespmem:$0xA160] =	vst v0  }
0x21: {  	[tilespmem:$0xA170] =	vst v0  }
0x22: {  	[tilespmem:$0xA180] =	vst v0  }
0x23: {  	[tilespmem:$0xA190] =	vst v0  }
0x24: {  	[tilespmem:$0xA1A0] =	vst v0  }
0x25: {  	[tilespmem:$0xA1B0] =	vst v0  }
0x26: {  	[tilespmem:$0xA1C0] =	vst v0  }
0x27: {  	[tilespmem:$0xA1D0] =	vst v0  }
0x28: {  	[tilespmem:$0xA1E0] =	vst v0  }
0x29: {  	[tilespmem:$0xA1F0] =	vst v0  }
0x2a: {  	[tilespmem:$0xA200] =	vst v0  }
0x2b: {  	[tilespmem:$0xA210] =	vst v0  }
0x2c: {  	[tilespmem:$0xA220] =	vst v0  }
0x2d: {  	[tilespmem:$0xA230] =	vst v0  }
0x2e: {  	[tilespmem:$0xA240] =	vst v0  }
0x2f: {  	[tilespmem:$0xA250] =	vst v0  }
0x30: {  	[tilespmem:$0xA260] =	vst v0  }
0x31: {  	[tilespmem:$0xA270] =	vst v0  }
0x32: {  	[tilespmem:$0xA280] =	vst v0  }
0x33: {  	[tilespmem:$0xA290] =	vst v0  }
0x34: {  	[tilespmem:$0xA2A0] =	vst v0  }
0x35: {  	[tilespmem:$0xA2B0] =	vst v0  }
0x36: {  	[tilespmem:$0xA2C0] =	vst v0  }
0x37: {  	[tilespmem:$0xA2D0] =	vst v0  }
0x38: {  	[tilespmem:$0xA2E0] =	vst v0  }
0x39: {  	[tilespmem:$0xA2F0] =	vst v0  }
0x3a: {  	[tilespmem:$0xA000] =	vst v1  }
0x3b: {  	[tilespmem:$0xA010] =	vst v1  }
0x3c: {  	[tilespmem:$0xA020] =	vst v1  }
0x3d: {  	[tilespmem:$0xA030] =	vst v1  }
0x3e: {  	[spmem:s5] =	stream.linear.scatter [tilespmem:s12], [sflag:$0x2], $0x280, $0x38;
	[tilespmem:$0xA800] =	vst v63  }
0x3f: {  	_ =	swait.ge [sflag:s13], $0x280  }
0x40: {  	[sflag:s13] =	ssyncset.done $0x0  }
0x41: {  	[sflag:s13] =	ssyncadd.s32 $0xFFFFFD80  }
0x42: {  	[spmem:s6] =	stream.linear.scatter [tilespmem:s12], [sflag:$0x2], $0x280, $0x38;
	[tilespmem:$0xA800] =	vst v63  }
0x43: {  	_ =	swait.ge [sflag:s13], $0x280  }
0x44: {  	[sflag:s13] =	ssyncset.done $0x0  }
0x45: {  	[sflag:s13] =	ssyncadd.s32 $0xFFFFFD80  }
0x46: {  	[tilespmem:s4], [sflag:$0x2] =	stream.linear.gather [hbm4b:s7+s4], $0x4E80, $0x38;
	[tilespmem:$0xA800] =	vst v63  }
0x47: {  	_ =	swait.ge [sflag:s13], $0x4E80  }
0x48: {  	[sflag:s13] =	ssyncset.done $0x0  }
0x49: {  	s0 =	simm.s32 $0x5000;
	[sflag:s13] =	ssyncadd.s32 $0xFFFFB180  }
0x4a: {  	[tilespmem:s0], [sflag:$0x2] =	stream.linear.gather [hbm4b:s8+s4], $0x4E80, $0x38;
	[tilespmem:$0xA800] =	vst v63  }
0x4b: {  	_ =	swait.ge [sflag:s13], $0x4E80  }
0x4c: {  	[sflag:s13] =	ssyncset.done $0x0  }
0x4d: {  	[sflag:s13] =	ssyncadd.s32 $0xFFFFB180  }
0x4e: {  	[bflag:$0x0] =	sbarrier.arrive $0xFFFF  }
0x4f: {  	[spmem:s1] =	stream.indirect.scatter.add.f32 [tilespmem:s16], [sflag:$0x1], $0x1, s4, s15, $0xb8;
	[tilespmem:$0xA800] =	vst v63  }
0x50: {  	_ = 	snop  }
0x51: {  	[spmem:s1] =	stream.indirect.scatter.add.f32 [tilespmem:s16], [sflag:$0x1], $0x1, s17, s15, $0xb8;
	[tilespmem:$0xA800] =	vst v63  }
0x52: {  	_ = 	snop  }
0x53: {  	[spmem:s1] =	stream.indirect.scatter.add.f32 [tilespmem:s16], [sflag:$0x1], $0x1, s18, s15, $0xb8;
	[tilespmem:$0xA800] =	vst v63  }
0x54: {  	p0 =	por $0x1, $0x1;
	s29 =	simm.s32 $0x8  }
0x55: {  	[spmem:s1] =	stream.indirect.scatter.add.f32 [tilespmem:s16], [sflag:$0x1], $0x1, s19, s15, $0xb8;
	[tilespmem:$0xA800] =	vst v63  }
0x56: {  	s29 =	simm.s32 @!p0 $0xFFFFFF6B  }
0x57: {  	[spmem:s1] =	stream.indirect.scatter.add.f32 [tilespmem:s16], [sflag:$0x1], $0x1, s20, s15, $0xb8;
	[tilespmem:$0xA800] =	vst v63  }
0x58: {  	s29 =	sadd.s32 $0x0, s29  }
0x59: {  	[spmem:s1] =	stream.indirect.scatter.add.f32 [tilespmem:s16], [sflag:$0x1], $0x1, s21, s15, $0xb8;
	[tilespmem:$0xA800] =	vst v63  }
0x5a: {  	s30 =	simm.s32 $0x0;
	s31 =	smov.u32 s14;
	s29 =	sshll.u32 s29, $0x7  }
0x5b: {  	[spmem:s1] =	stream.indirect.scatter.add.f32 [tilespmem:s16], [sflag:$0x1], $0x1, s22, s15, $0xb8;
	[tilespmem:$0xA800] =	vst v63  }
0x5c: {  	s30 =	simm.s32 @!p0 $0x5000;
	s31 =	smov.u32 @p0 s1;
	s29 =	sand.u32 $0x3FFFFF80, s29  }
0x5d: {  	[spmem:s1] =	stream.indirect.scatter.add.f32 [tilespmem:s16], [sflag:$0x1], $0x1, s23, s15, $0xb8;
	[tilespmem:$0xA800] =	vst v63  }
0x5e: {  	p0 =	por $0x1, $0x1;
	s29 =	sadd.s32 s29, s30;
	s30 =	simm.s32 $0x8  }
0x5f: {  	[spmem:s31] =	stream.indirect.scatter.add.f32 [tilespmem:s16], [sflag:$0x1], $0x1, s29, s15, $0xb8;
	[tilespmem:$0xA800] =	vst v63  }
0x60: {  	s30 =	simm.s32 @!p0 $0xFFFFFF6B;
	_ =	swait.ge [sflag:s24], $0x40  }
0x61: {  	s30 =	sadd.s32 $0x1, s30;
	s29 =	simm.s32 $0x2;
	[sflag:s24] =	ssyncset.done $0x0  }
.LBB2_2:
0x62: {  	s30 =	sshll.u32 s30, $0x7  }
0x63: {  	[sflag:s24] =	ssyncadd.s32 $0xFFFFFFC0;
	s31 =	smov.u32 s29;
	s0 =	sadd.s32 $0x1, s29  }
0x64: {  	s2 =	simm.s32 $0x0;
	s3 =	smov.u32 s14;
	p1 =	sne.s32 s29, $0x131  }
0x65: {  	s2 =	simm.s32 @!p0 $0x5000;
	s30 =	sand.u32 $0x3FFFFF80, s30;
	s3 =	smov.u32 @p0 s1  }
.Ltmp0:
0x66: {  	p0 =	slt.u32 s31, $0x95;
	s2 =	sadd.s32 s30, s2;
	(pc) =	sbr.rel @p1 .LBB2_2-.Ltmp0, $4  }
0x67: {  	[spmem:s3] =	stream.indirect.scatter.add.f32 [tilespmem:s16], [sflag:$0x1], $0x1, s2, s15, $0xb8;
	[tilespmem:$0xA800] =	vst v63  }
0x68: {  	s2 =	simm.s32 $0x8  }
0x69: {  	s2 =	simm.s32 @!p0 $0xFFFFFF6B;
	_ =	swait.ge [sflag:s24], $0x40  }
0x6a: {  	s29 =	smov.u32 s0;
	s30 =	sadd.s32 s31, s2;
	[sflag:s24] =	ssyncset.done $0x0  }
0x6b: {  	s0 =	sshll.u32 s30, $0x7;
	s2 =	simm.s32 $0x0  }
0x6c: {  	s3 =	smov.u32 s14;
	s2 =	simm.s32 @!p0 $0x5000;
	s0 =	sand.u32 $0x3FFFFF80, s0  }
0x6d: {  	[sflag:s24] =	ssyncadd.s32 $0xFFFFFFC0;
	s3 =	smov.u32 @p0 s1;
	s0 =	sadd.s32 s0, s2  }
0x6e: {  	[spmem:s3] =	stream.indirect.scatter.add.f32 [tilespmem:s16], [sflag:$0x1], $0x1, s0, s15, $0xb8;
	[tilespmem:$0xA800] =	vst v63  }
0x6f: {  	_ =	swait.ge [sflag:s24], $0x40  }
0x70: {  	[sflag:s24] =	ssyncset.done $0x0  }
0x71: {  	[sflag:s24] =	ssyncadd.s32 $0xFFFFFFC0  }
0x72: {  	_ =	swait.ge [sflag:s24], $0x40  }
0x73: {  	[sflag:s24] =	ssyncset.done $0x0  }
0x74: {  	[sflag:s24] =	ssyncadd.s32 $0xFFFFFFC0  }
0x75: {  	_ =	swait.ge [sflag:s24], $0x40  }
0x76: {  	[sflag:s24] =	ssyncset.done $0x0  }
0x77: {  	[sflag:s24] =	ssyncadd.s32 $0xFFFFFFC0  }
0x78: {  	_ =	swait.ge [sflag:s24], $0x40  }
0x79: {  	[sflag:s24] =	ssyncset.done $0x0  }
0x7a: {  	[sflag:s24] =	ssyncadd.s32 $0xFFFFFFC0  }
0x7b: {  	_ =	swait.ge [sflag:s24], $0x40  }
0x7c: {  	[sflag:s24] =	ssyncset.done $0x0  }
0x7d: {  	[sflag:s24] =	ssyncadd.s32 $0xFFFFFFC0  }
0x7e: {  	_ =	swait.ge [sflag:s24], $0x40  }
0x7f: {  	[sflag:s24] =	ssyncset.done $0x0  }
0x80: {  	[sflag:s24] =	ssyncadd.s32 $0xFFFFFFC0  }
0x81: {  	_ =	swait.ge [sflag:s24], $0x40  }
0x82: {  	[sflag:s24] =	ssyncset.done $0x0  }
0x83: {  	[sflag:s24] =	ssyncadd.s32 $0xFFFFFFC0  }
0x84: {  	_ =	swait.ge [sflag:s24], $0x40  }
0x85: {  	[sflag:s24] =	ssyncset.done $0x0  }
0x86: {  	[sflag:s24] =	ssyncadd.s32 $0xFFFFFFC0  }
0x87: {  	_ =	swait.ge [sflag:s24], $0x40  }
0x88: {  	s29 =	stileid.u32;
	[sflag:s24] =	ssyncset.done $0x0  }
0x89: {  	s0 =	sshll.u32 s29, $0x6;
	[sflag:s24] =	ssyncadd.s32 $0xFFFFFFC0  }
0x8a: {  	s30 =	sshrl.u32 s5, $0x3;
	s0 =	sor.u32 $0x1C02, s0;
	[bflag:$0x0] =	sbarrier.arrive $0xFFFF  }
0x8b: {  	[hbm:s9@s25], [sflag:s0] =	dma.strided [spmem:s30@s26], $0x50, s24, $0x10   }
0x8c: {  	s28 =	sadd.s32 $0x1, s28;
	_ =	swait.ge [sflag:s13], $0x50  }
0x8d: {  	p0 =	sne.s32 s28, s11;
	[sflag:s13] =	ssyncset.done $0x0  }
.Ltmp1:
0x8e: {  	s31 =	sshrl.u32 s6, $0x3;
	[sflag:s13] =	ssyncadd.s32 $0xFFFFFFB0;
	(pc) =	sbr.rel @p0 .LBB2_1-.Ltmp1, $4  }
0x8f: {  	[hbm:s10@s25], [sflag:s0] =	dma.strided [spmem:s31@s26], $0x50, s24, $0x10   }
0x90: {  	_ =	swait.ge [sflag:s13], $0x50  }
0x91: {  	[sflag:s13] =	ssyncset.done $0x0  }
0x92: {  	[sflag:s13] =	ssyncadd.s32 $0xFFFFFFB0  }
0x93: {  	_ =	sfence.sel $0x180000  }
0x94: {  	[bflag:$0x0] =	sbarrier.arrive $0xFFFF  }
0x95: {  	_ =	strace $0x90000047  }
0x96: {  	s0 =	stileid.u32;
	[bflag:$0x2] =	sbarrier.arrive $0xFFFF  }
0x97: {  	p0 =	sne.s32 s0, $0x0;
	s0 =	rddreg [dreg:$0x3]  }
0x98: {  	s0 =	sadd.s32 @!p0 $0x100000, s0  }
0x99: {  	[sflag:s0] =	ssyncadd.tile.s32 @!p0 $0x1;
	_ =	shalt  }
.Lfunc_end2:
_tile_overlayer_lowered:
.L_overlay_start_2:
0x9a: {  	(tag) =	ssettag $0x2  }
0x9b: {  	s0 =	rddreg [dreg:$0x0];
	s2 =	stileid.u32  }
0x9c: {  	s1 =	rddreg [dreg:$0x1];
	p0 =	sne.s32 s2, $0x0  }
0x9d: {  	s3 =	rddreg [dreg:$0x2];
	[bflag:$0x3] =	sbarrier.arrive $0xFFFF;
	s2 =	simm.s32 @!p0 $0x1C02  }
0x9e: {  	[timem:s3], [sflag:s2] =	dma.local @!p0 [hbm:s0], s1  }
0x9f: {  	s0 =	simm.s32 @!p0 $0x2  }
0xa0: {  	_ =	swait.ge @!p0 [sflag:s0], s1  }
0xa1: {  	s1 =	ssub.s32 @!p0 $0x0, s1;
	[sflag:s0] =	ssyncset.done @!p0 $0x0  }
0xa2: {  	[sflag:s0] =	ssyncadd.s32 @!p0 s1  }
0xa3: {  	[bflag:$0x3] =	sbarrier.arrive $0xFFFF  }
0xa4: {  	_ =	shalt  }

</sc_bundles>
